<compile_context>
chip_gen: v7x
topology: tpu7x:2x2x1
jax: 0.10.2.dev20260603
libtpu: 0.0.44.dev20260713+nightly
codegen_flags: <defaults>
</compile_context>

<pallas_src>
import math

import jax
import jax.numpy as jnp
from jax import lax
from jax.experimental import pallas as pl
from jax.experimental.pallas import tpu as pltpu
from jax.experimental.pallas import tpu_sc as plsc

_NUM_SEG = 256
_NC, _NS, _LL = 2, 16, 16
_NW = _NC * _NS
_KJ = 16
_RPW = _KJ * 128


def _tc_body(x_ref, tcol_ref, irow_ref, w_ref, oe_ref, or_ref):
    n, hd = x_ref.shape[1], x_ref.shape[2]
    h = oe_ref.shape[2]
    th = w_ref.shape[1]
    s = _NUM_SEG

    xv = x_ref[0]
    tcol = tcol_ref[0]
    irow = irow_ref[0]
    wb = w_ref[...]

    xb = xv.astype(jnp.bfloat16)
    all_sc = jax.lax.dot_general(xb, wb, (((1,), (0,)), ((), ())),
                                 preferred_element_type=jnp.float32)
    lane_t = jax.lax.broadcasted_iota(jnp.int32, (n, th), 1) // h
    masked = jnp.where(lane_t == tcol, all_sc, 0.0)

    kmod = jax.lax.broadcasted_iota(jnp.int32, (th, h), 0) % h
    hidx = jax.lax.broadcasted_iota(jnp.int32, (th, h), 1)
    sel2 = (kmod == hidx).astype(jnp.float32)
    attns = jax.lax.dot_general(masked, sel2, (((1,), (0,)), ((), ())),
                                preferred_element_type=jnp.float32)

    e = jnp.exp(attns)
    oh_sT = (irow == jax.lax.broadcasted_iota(jnp.int32, (s, n), 0)).astype(jnp.float32)
    ssum = jax.lax.dot_general(oh_sT, e, (((1,), (0,)), ((), ())),
                               preferred_element_type=jnp.float32)
    oe_ref[0] = e
    or_ref[0] = 1.0 / (ssum + 1e-16)


def _sc_norm(e4, idx3, r2):
    mesh = plsc.VectorSubcoreMesh(core_axis_name="c", subcore_axis_name="s",
                                  num_cores=_NC, num_subcores=_NS)

    def body(e_hbm, idx_hbm, r_hbm, out_hbm, idx_v, rows_v, e_v, sem):
        wid = lax.axis_index("s") * _NC + lax.axis_index("c")
        pltpu.sync_copy(idx_hbm.at[wid], idx_v)
        pltpu.sync_copy(e_hbm.at[wid], e_v)
        descs = [pltpu.async_copy(r_hbm.at[idx_v.at[j]], rows_v.at[j], sem)
                 for j in range(_KJ)]
        for d2 in descs:
            d2.wait()
        for j in range(_KJ):
            def mul_body(i, carry, j=j):
                e_v[j, i, :] = e_v[j, i, :] * rows_v[j, i, :]
                return carry
            lax.fori_loop(0, 128, mul_body, 0)
        pltpu.sync_copy(e_v, out_hbm.at[wid])

    fn = pl.kernel(
        body,
        out_type=jax.ShapeDtypeStruct(e4.shape, jnp.float32),
        mesh=mesh,
        scratch_types=[
            pltpu.VMEM((_KJ, 128), jnp.int32),
            pltpu.VMEM((_KJ, 128, _LL), jnp.float32),
            pltpu.VMEM((_KJ, 128, _LL), jnp.float32),
            pltpu.SemaphoreType.DMA,
        ],
        compiler_params=pltpu.CompilerParams(use_tc_tiling_on_sc=False),
    )
    return fn(e4, idx3, r2)


def kernel(x, types, indexs, attn_vector):
    b, n, h, d = x.shape
    t = attn_vector.shape[0]
    hd = h * d
    s = _NUM_SEG

    x2 = x.reshape(b, n, hd)
    tcol = types.reshape(b, n, 1).astype(jnp.int32)
    irow = indexs.reshape(b, 1, n).astype(jnp.int32)

    av3 = jnp.transpose(attn_vector[:, 0], (1, 2, 0))
    w = (av3[:, :, :, None] * jnp.eye(h, dtype=x.dtype)[:, None, None, :])
    w = (w.reshape(hd, t * h) * (1.0 / math.sqrt(d))).astype(jnp.bfloat16)

    e, r = pl.pallas_call(
        _tc_body,
        grid=(b,),
        in_specs=[
            pl.BlockSpec((1, n, hd), lambda i: (i, 0, 0)),
            pl.BlockSpec((1, n, 1), lambda i: (i, 0, 0)),
            pl.BlockSpec((1, 1, n), lambda i: (i, 0, 0)),
            pl.BlockSpec((hd, t * h), lambda i: (0, 0)),
        ],
        out_specs=[pl.BlockSpec((1, n, h), lambda i: (i, 0, 0)),
                   pl.BlockSpec((1, s, h), lambda i: (i, 0, 0))],
        out_shape=[jax.ShapeDtypeStruct((b, n, h), jnp.float32),
                   jax.ShapeDtypeStruct((b, s, h), jnp.float32)],
    )(x2, tcol, irow, w)

    c = (indexs.astype(jnp.int32) +
         s * jnp.arange(b, dtype=jnp.int32)[:, None])
    idx3 = c.reshape(_NW, _KJ, 128)
    e4 = e.reshape(_NW, _KJ, 128, h)
    r2 = r.reshape(b * s, h)

    out = _sc_norm(e4, idx3, r2)
    return out.reshape(b, n, h)

# --- scband reference (transcript-rebuilt; emitter-appended) ---
"""Pipeline reference for scband-multi-attn-vector-5703716569223 (READ-ONLY COPY).

The authoritative reference and input builder live on the scoring server;
editing this copy changes nothing except your own understanding.
"""

import math
import jax, jax.numpy as jnp
import numpy as np

B, N, T, H, D = 16, 4096, 8, 16, 32
NUM_SEG = 256


def setup_inputs(seed: int = 0) -> dict:
    key = jax.random.key(seed)
    k1, k2, k3, k4 = jax.random.split(key, 4)
    x = jax.random.normal(k1, (B, N, H, D), dtype=jnp.float32)
    types = jax.random.randint(k2, (B, N), 0, T)
    indexs = jnp.sort(jax.random.randint(k3, (B, N), 0, NUM_SEG), axis=-1)
    # xavier_uniform on shape (T, 1, H, D): torch fan_in = H*D*1? torch computes
    # fan_in = size(1)*receptive = 1*H*D? Use standard xavier bound over (fan_in=H*D, fan_out=T)
    fan_in = 1 * H * D
    fan_out = T * H * D // max(T, 1)
    bound = math.sqrt(6.0 / (fan_in + fan_out))
    attn_vector = jax.random.uniform(k4, (T, 1, H, D), dtype=jnp.float32, minval=-bound, maxval=bound)
    return {"x": x, "types": types, "indexs": indexs, "attn_vector": attn_vector}


def _segment_softmax(src, idx, num_t):
    # src: [N, H], idx: [N] -> per-segment softmax along N
    smax = jax.ops.segment_max(src, idx, num_segments=num_t)      # [num_t, H]
    smax_g = jnp.take(smax, idx, axis=0)                          # [N, H]
    out = jnp.exp(src - smax_g)
    ssum = jax.ops.segment_sum(out, idx, num_segments=num_t)      # [num_t, H]
    ssum_g = jnp.take(ssum, idx, axis=0)                          # [N, H]
    return out / (ssum_g + 1e-16)


def reference(x, types, indexs, attn_vector):
    # per-type attention vectors gathered per token (equivalent to the masked loop)
    av = attn_vector[:, 0]                       # [T, H, D]
    per_tok = jnp.take(av, types, axis=0)        # [B, N, H, D]
    attns = jnp.sum(x * per_tok, axis=-1)        # [B, N, H]
    attns = attns / math.sqrt(x.shape[-1])
    num_t = NUM_SEG
    attn_score = jax.vmap(lambda s, i: _segment_softmax(s, i, num_t))(attns, indexs)
    return attn_score


if False:  # reference __main__ guard neutralized (emitter)
    inp = setup_inputs()
    out = reference(**inp)
    print(out.shape, out.dtype)

if __name__ == "__main__":
    import jax
    _d = setup_inputs()
    print(jax.jit(kernel)(*tuple(_d.values())))

</pallas_src>

<mosaic_0001>
#map = affine_map<(d0, d1) -> (0, 0, 0, 0)>
#map1 = affine_map<(d0, d1) -> (0, 0, 0)>
#map2 = affine_map<(d0, d1) -> (0, 0)>
module attributes {stable_mosaic.version = 14 : i64} {
  func.func @body(%arg0: i32, %arg1: i32, %arg2: memref<32x16x128x16xf32, #tpu.memory_space<hbm>>, %arg3: memref<32x16x128xi32, #tpu.memory_space<hbm>>, %arg4: memref<4096x16xf32, #tpu.memory_space<hbm>>, %arg5: memref<32x16x128x16xf32, #tpu.memory_space<hbm>>, %arg6: memref<16x128xi32, #tpu.memory_space<vmem>>, %arg7: memref<16x128x16xf32, #tpu.memory_space<vmem>>, %arg8: memref<16x128x16xf32, #tpu.memory_space<vmem>>, %arg9: memref<!tpu.dma_semaphore, #tpu.memory_space<semaphore_mem>>) attributes {dimension_semantics = [#tpu.dimension_semantics<core_parallel>, #tpu.dimension_semantics<subcore_parallel>], iteration_bounds = array<i64: 2, 16>, scalar_prefetch = 0 : i64, scratch_operands = 4 : i64, tpu.core_type = #tpu.core_type<sc_vector_subcore>, window_params = [{transform_indices = #map}, {transform_indices = #map1}, {transform_indices = #map2}, {transform_indices = #map}]} {
    %mul3A = arith.constant 2 : i32
    %mul3A_0 = arith.muli %arg1, %mul3A : i32
    %add3A = arith.addi %mul3A_0, %arg0 : i32
    "tpu.region"() ({
      %run_scoped3A = tpu.sem_alloc : memref<!tpu.dma_semaphore, #tpu.memory_space<semaphore_mem>>
      %dma_start3A_478 = arith.constant 0 : i32
      %dma_start3A_479 = arith.constant 0 : i32
      %dma_start3A_480 = tpu.memref_slice %arg3[%add3A, %dma_start3A_478, %dma_start3A_479] : memref<32x16x128xi32, #tpu.memory_space<hbm>> -> memref<1x16x128xi32, #tpu.memory_space<hbm>>
      %dma_start3A_481 = tpu.memref_squeeze %dma_start3A_480 : memref<1x16x128xi32, #tpu.memory_space<hbm>> -> memref<16x128xi32, #tpu.memory_space<hbm>>
      %dma_start3A_482 = arith.constant 0 : i32
      %dma_start3A_483 = arith.constant 0 : i32
      %dma_start3A_484 = tpu.memref_slice %arg3[%add3A, %dma_start3A_482, %dma_start3A_483] : memref<32x16x128xi32, #tpu.memory_space<hbm>> -> memref<1x16x128xi32, #tpu.memory_space<hbm>>
      %dma_start3A_485 = tpu.memref_squeeze %dma_start3A_484 : memref<1x16x128xi32, #tpu.memory_space<hbm>> -> memref<16x128xi32, #tpu.memory_space<hbm>>
      tpu.enqueue_dma source(%dma_start3A_485 : memref<16x128xi32, #tpu.memory_space<hbm>>) target(%arg6 : memref<16x128xi32, #tpu.memory_space<vmem>>) target_semaphore(%run_scoped3A : memref<!tpu.dma_semaphore, #tpu.memory_space<semaphore_mem>>)
      %dma_wait3A_486 = arith.constant 0 : i32
      %dma_wait3A_487 = arith.constant 0 : i32
      %dma_wait3A_488 = tpu.memref_slice %arg3[%add3A, %dma_wait3A_486, %dma_wait3A_487] : memref<32x16x128xi32, #tpu.memory_space<hbm>> -> memref<1x16x128xi32, #tpu.memory_space<hbm>>
      %dma_wait3A_489 = tpu.memref_squeeze %dma_wait3A_488 : memref<1x16x128xi32, #tpu.memory_space<hbm>> -> memref<16x128xi32, #tpu.memory_space<hbm>>
      %dma_wait3A_490 = arith.constant 0 : i32
      %dma_wait3A_491 = arith.constant 0 : i32
      %dma_wait3A_492 = tpu.memref_slice %arg3[%add3A, %dma_wait3A_490, %dma_wait3A_491] : memref<32x16x128xi32, #tpu.memory_space<hbm>> -> memref<1x16x128xi32, #tpu.memory_space<hbm>>
      %dma_wait3A_493 = tpu.memref_squeeze %dma_wait3A_492 : memref<1x16x128xi32, #tpu.memory_space<hbm>> -> memref<16x128xi32, #tpu.memory_space<hbm>>
      tpu.wait_dma2 semaphore(%run_scoped3A : memref<!tpu.dma_semaphore, #tpu.memory_space<semaphore_mem>>) src(%dma_wait3A_493 : memref<16x128xi32, #tpu.memory_space<hbm>>) dst(%arg6 : memref<16x128xi32, #tpu.memory_space<vmem>>)
      tpu.yield
    }) : () -> ()
    "tpu.region"() ({
      %run_scoped3A = tpu.sem_alloc : memref<!tpu.dma_semaphore, #tpu.memory_space<semaphore_mem>>
      %dma_start3A_478 = arith.constant 0 : i32
      %dma_start3A_479 = arith.constant 0 : i32
      %dma_start3A_480 = arith.constant 0 : i32
      %dma_start3A_481 = tpu.memref_slice %arg2[%add3A, %dma_start3A_478, %dma_start3A_479, %dma_start3A_480] : memref<32x16x128x16xf32, #tpu.memory_space<hbm>> -> memref<1x16x128x16xf32, #tpu.memory_space<hbm>>
      %dma_start3A_482 = tpu.memref_squeeze %dma_start3A_481 : memref<1x16x128x16xf32, #tpu.memory_space<hbm>> -> memref<16x128x16xf32, #tpu.memory_space<hbm>>
      %dma_start3A_483 = arith.constant 0 : i32
      %dma_start3A_484 = arith.constant 0 : i32
      %dma_start3A_485 = arith.constant 0 : i32
      %dma_start3A_486 = tpu.memref_slice %arg2[%add3A, %dma_start3A_483, %dma_start3A_484, %dma_start3A_485] : memref<32x16x128x16xf32, #tpu.memory_space<hbm>> -> memref<1x16x128x16xf32, #tpu.memory_space<hbm>>
      %dma_start3A_487 = tpu.memref_squeeze %dma_start3A_486 : memref<1x16x128x16xf32, #tpu.memory_space<hbm>> -> memref<16x128x16xf32, #tpu.memory_space<hbm>>
      tpu.enqueue_dma source(%dma_start3A_487 : memref<16x128x16xf32, #tpu.memory_space<hbm>>) target(%arg8 : memref<16x128x16xf32, #tpu.memory_space<vmem>>) target_semaphore(%run_scoped3A : memref<!tpu.dma_semaphore, #tpu.memory_space<semaphore_mem>>)
      %dma_wait3A_488 = arith.constant 0 : i32
      %dma_wait3A_489 = arith.constant 0 : i32
      %dma_wait3A_490 = arith.constant 0 : i32
      %dma_wait3A_491 = tpu.memref_slice %arg2[%add3A, %dma_wait3A_488, %dma_wait3A_489, %dma_wait3A_490] : memref<32x16x128x16xf32, #tpu.memory_space<hbm>> -> memref<1x16x128x16xf32, #tpu.memory_space<hbm>>
      %dma_wait3A_492 = tpu.memref_squeeze %dma_wait3A_491 : memref<1x16x128x16xf32, #tpu.memory_space<hbm>> -> memref<16x128x16xf32, #tpu.memory_space<hbm>>
      %dma_wait3A_493 = arith.constant 0 : i32
      %dma_wait3A_494 = arith.constant 0 : i32
      %dma_wait3A_495 = arith.constant 0 : i32
      %dma_wait3A_496 = tpu.memref_slice %arg2[%add3A, %dma_wait3A_493, %dma_wait3A_494, %dma_wait3A_495] : memref<32x16x128x16xf32, #tpu.memory_space<hbm>> -> memref<1x16x128x16xf32, #tpu.memory_space<hbm>>
      %dma_wait3A_497 = tpu.memref_squeeze %dma_wait3A_496 : memref<1x16x128x16xf32, #tpu.memory_space<hbm>> -> memref<16x128x16xf32, #tpu.memory_space<hbm>>
      tpu.wait_dma2 semaphore(%run_scoped3A : memref<!tpu.dma_semaphore, #tpu.memory_space<semaphore_mem>>) src(%dma_wait3A_497 : memref<16x128x16xf32, #tpu.memory_space<hbm>>) dst(%arg8 : memref<16x128x16xf32, #tpu.memory_space<vmem>>)
      tpu.yield
    }) : () -> ()
    %dma_start3A = arith.constant 0 : i32
    %dma_start3A_1 = arith.constant 0 : i32
    %dma_start3A_2 = arith.constant 0 : i32
    %dma_start3A_3 = arith.constant 0 : i32
    %dma_start3A_4 = tpu.memref_slice %arg7[%dma_start3A_1, %dma_start3A_2, %dma_start3A_3] : memref<16x128x16xf32, #tpu.memory_space<vmem>> -> memref<1x128x16xf32, #tpu.memory_space<vmem>>
    %dma_start3A_5 = tpu.memref_squeeze %dma_start3A_4 : memref<1x128x16xf32, #tpu.memory_space<vmem>> -> memref<128x16xf32, #tpu.memory_space<vmem>>
    %dma_start3A_6 = arith.constant 0 : i32
    %dma_start3A_7 = tpu.memref_slice %arg6[%dma_start3A, %dma_start3A_6] : memref<16x128xi32, #tpu.memory_space<vmem>> -> memref<1x128xi32, #tpu.memory_space<vmem>>
    %dma_start3A_8 = tpu.memref_squeeze %dma_start3A_7 : memref<1x128xi32, #tpu.memory_space<vmem>> -> memref<128xi32, #tpu.memory_space<vmem>>
    %dma_start3A_9 = arith.constant 0 : i32
    %dma_start3A_10 = arith.constant 0 : i32
    %dma_start3A_11 = tpu.memref_slice %arg4[%dma_start3A_9, %dma_start3A_10] : memref<4096x16xf32, #tpu.memory_space<hbm>> -> memref<4096x16xf32, #tpu.memory_space<hbm>>
    tpu.enqueue_indirect_dma source(%dma_start3A_11 : memref<4096x16xf32, #tpu.memory_space<hbm>>) target(%dma_start3A_5 : memref<128x16xf32, #tpu.memory_space<vmem>>) offsets(%dma_start3A_8 : memref<128xi32, #tpu.memory_space<vmem>>) semaphore(%arg9 : memref<!tpu.dma_semaphore, #tpu.memory_space<semaphore_mem>>)
    %dma_start3A_12 = arith.constant 1 : i32
    %dma_start3A_13 = arith.constant 1 : i32
    %dma_start3A_14 = arith.constant 0 : i32
    %dma_start3A_15 = arith.constant 0 : i32
    %dma_start3A_16 = tpu.memref_slice %arg7[%dma_start3A_13, %dma_start3A_14, %dma_start3A_15] : memref<16x128x16xf32, #tpu.memory_space<vmem>> -> memref<1x128x16xf32, #tpu.memory_space<vmem>>
    %dma_start3A_17 = tpu.memref_squeeze %dma_start3A_16 : memref<1x128x16xf32, #tpu.memory_space<vmem>> -> memref<128x16xf32, #tpu.memory_space<vmem>>
    %dma_start3A_18 = arith.constant 0 : i32
    %dma_start3A_19 = tpu.memref_slice %arg6[%dma_start3A_12, %dma_start3A_18] : memref<16x128xi32, #tpu.memory_space<vmem>> -> memref<1x128xi32, #tpu.memory_space<vmem>>
    %dma_start3A_20 = tpu.memref_squeeze %dma_start3A_19 : memref<1x128xi32, #tpu.memory_space<vmem>> -> memref<128xi32, #tpu.memory_space<vmem>>
    %dma_start3A_21 = arith.constant 0 : i32
    %dma_start3A_22 = arith.constant 0 : i32
    %dma_start3A_23 = tpu.memref_slice %arg4[%dma_start3A_21, %dma_start3A_22] : memref<4096x16xf32, #tpu.memory_space<hbm>> -> memref<4096x16xf32, #tpu.memory_space<hbm>>
    tpu.enqueue_indirect_dma source(%dma_start3A_23 : memref<4096x16xf32, #tpu.memory_space<hbm>>) target(%dma_start3A_17 : memref<128x16xf32, #tpu.memory_space<vmem>>) offsets(%dma_start3A_20 : memref<128xi32, #tpu.memory_space<vmem>>) semaphore(%arg9 : memref<!tpu.dma_semaphore, #tpu.memory_space<semaphore_mem>>)
    %dma_start3A_24 = arith.constant 2 : i32
    %dma_start3A_25 = arith.constant 2 : i32
    %dma_start3A_26 = arith.constant 0 : i32
    %dma_start3A_27 = arith.constant 0 : i32
    %dma_start3A_28 = tpu.memref_slice %arg7[%dma_start3A_25, %dma_start3A_26, %dma_start3A_27] : memref<16x128x16xf32, #tpu.memory_space<vmem>> -> memref<1x128x16xf32, #tpu.memory_space<vmem>>
    %dma_start3A_29 = tpu.memref_squeeze %dma_start3A_28 : memref<1x128x16xf32, #tpu.memory_space<vmem>> -> memref<128x16xf32, #tpu.memory_space<vmem>>
    %dma_start3A_30 = arith.constant 0 : i32
    %dma_start3A_31 = tpu.memref_slice %arg6[%dma_start3A_24, %dma_start3A_30] : memref<16x128xi32, #tpu.memory_space<vmem>> -> memref<1x128xi32, #tpu.memory_space<vmem>>
    %dma_start3A_32 = tpu.memref_squeeze %dma_start3A_31 : memref<1x128xi32, #tpu.memory_space<vmem>> -> memref<128xi32, #tpu.memory_space<vmem>>
    %dma_start3A_33 = arith.constant 0 : i32
    %dma_start3A_34 = arith.constant 0 : i32
    %dma_start3A_35 = tpu.memref_slice %arg4[%dma_start3A_33, %dma_start3A_34] : memref<4096x16xf32, #tpu.memory_space<hbm>> -> memref<4096x16xf32, #tpu.memory_space<hbm>>
    tpu.enqueue_indirect_dma source(%dma_start3A_35 : memref<4096x16xf32, #tpu.memory_space<hbm>>) target(%dma_start3A_29 : memref<128x16xf32, #tpu.memory_space<vmem>>) offsets(%dma_start3A_32 : memref<128xi32, #tpu.memory_space<vmem>>) semaphore(%arg9 : memref<!tpu.dma_semaphore, #tpu.memory_space<semaphore_mem>>)
    %dma_start3A_36 = arith.constant 3 : i32
    %dma_start3A_37 = arith.constant 3 : i32
    %dma_start3A_38 = arith.constant 0 : i32
    %dma_start3A_39 = arith.constant 0 : i32
    %dma_start3A_40 = tpu.memref_slice %arg7[%dma_start3A_37, %dma_start3A_38, %dma_start3A_39] : memref<16x128x16xf32, #tpu.memory_space<vmem>> -> memref<1x128x16xf32, #tpu.memory_space<vmem>>
    %dma_start3A_41 = tpu.memref_squeeze %dma_start3A_40 : memref<1x128x16xf32, #tpu.memory_space<vmem>> -> memref<128x16xf32, #tpu.memory_space<vmem>>
    %dma_start3A_42 = arith.constant 0 : i32
    %dma_start3A_43 = tpu.memref_slice %arg6[%dma_start3A_36, %dma_start3A_42] : memref<16x128xi32, #tpu.memory_space<vmem>> -> memref<1x128xi32, #tpu.memory_space<vmem>>
    %dma_start3A_44 = tpu.memref_squeeze %dma_start3A_43 : memref<1x128xi32, #tpu.memory_space<vmem>> -> memref<128xi32, #tpu.memory_space<vmem>>
    %dma_start3A_45 = arith.constant 0 : i32
    %dma_start3A_46 = arith.constant 0 : i32
    %dma_start3A_47 = tpu.memref_slice %arg4[%dma_start3A_45, %dma_start3A_46] : memref<4096x16xf32, #tpu.memory_space<hbm>> -> memref<4096x16xf32, #tpu.memory_space<hbm>>
    tpu.enqueue_indirect_dma source(%dma_start3A_47 : memref<4096x16xf32, #tpu.memory_space<hbm>>) target(%dma_start3A_41 : memref<128x16xf32, #tpu.memory_space<vmem>>) offsets(%dma_start3A_44 : memref<128xi32, #tpu.memory_space<vmem>>) semaphore(%arg9 : memref<!tpu.dma_semaphore, #tpu.memory_space<semaphore_mem>>)
    %dma_start3A_48 = arith.constant 4 : i32
    %dma_start3A_49 = arith.constant 4 : i32
    %dma_start3A_50 = arith.constant 0 : i32
    %dma_start3A_51 = arith.constant 0 : i32
    %dma_start3A_52 = tpu.memref_slice %arg7[%dma_start3A_49, %dma_start3A_50, %dma_start3A_51] : memref<16x128x16xf32, #tpu.memory_space<vmem>> -> memref<1x128x16xf32, #tpu.memory_space<vmem>>
    %dma_start3A_53 = tpu.memref_squeeze %dma_start3A_52 : memref<1x128x16xf32, #tpu.memory_space<vmem>> -> memref<128x16xf32, #tpu.memory_space<vmem>>
    %dma_start3A_54 = arith.constant 0 : i32
    %dma_start3A_55 = tpu.memref_slice %arg6[%dma_start3A_48, %dma_start3A_54] : memref<16x128xi32, #tpu.memory_space<vmem>> -> memref<1x128xi32, #tpu.memory_space<vmem>>
    %dma_start3A_56 = tpu.memref_squeeze %dma_start3A_55 : memref<1x128xi32, #tpu.memory_space<vmem>> -> memref<128xi32, #tpu.memory_space<vmem>>
    %dma_start3A_57 = arith.constant 0 : i32
    %dma_start3A_58 = arith.constant 0 : i32
    %dma_start3A_59 = tpu.memref_slice %arg4[%dma_start3A_57, %dma_start3A_58] : memref<4096x16xf32, #tpu.memory_space<hbm>> -> memref<4096x16xf32, #tpu.memory_space<hbm>>
    tpu.enqueue_indirect_dma source(%dma_start3A_59 : memref<4096x16xf32, #tpu.memory_space<hbm>>) target(%dma_start3A_53 : memref<128x16xf32, #tpu.memory_space<vmem>>) offsets(%dma_start3A_56 : memref<128xi32, #tpu.memory_space<vmem>>) semaphore(%arg9 : memref<!tpu.dma_semaphore, #tpu.memory_space<semaphore_mem>>)
    %dma_start3A_60 = arith.constant 5 : i32
    %dma_start3A_61 = arith.constant 5 : i32
    %dma_start3A_62 = arith.constant 0 : i32
    %dma_start3A_63 = arith.constant 0 : i32
    %dma_start3A_64 = tpu.memref_slice %arg7[%dma_start3A_61, %dma_start3A_62, %dma_start3A_63] : memref<16x128x16xf32, #tpu.memory_space<vmem>> -> memref<1x128x16xf32, #tpu.memory_space<vmem>>
    %dma_start3A_65 = tpu.memref_squeeze %dma_start3A_64 : memref<1x128x16xf32, #tpu.memory_space<vmem>> -> memref<128x16xf32, #tpu.memory_space<vmem>>
    %dma_start3A_66 = arith.constant 0 : i32
    %dma_start3A_67 = tpu.memref_slice %arg6[%dma_start3A_60, %dma_start3A_66] : memref<16x128xi32, #tpu.memory_space<vmem>> -> memref<1x128xi32, #tpu.memory_space<vmem>>
    %dma_start3A_68 = tpu.memref_squeeze %dma_start3A_67 : memref<1x128xi32, #tpu.memory_space<vmem>> -> memref<128xi32, #tpu.memory_space<vmem>>
    %dma_start3A_69 = arith.constant 0 : i32
    %dma_start3A_70 = arith.constant 0 : i32
    %dma_start3A_71 = tpu.memref_slice %arg4[%dma_start3A_69, %dma_start3A_70] : memref<4096x16xf32, #tpu.memory_space<hbm>> -> memref<4096x16xf32, #tpu.memory_space<hbm>>
    tpu.enqueue_indirect_dma source(%dma_start3A_71 : memref<4096x16xf32, #tpu.memory_space<hbm>>) target(%dma_start3A_65 : memref<128x16xf32, #tpu.memory_space<vmem>>) offsets(%dma_start3A_68 : memref<128xi32, #tpu.memory_space<vmem>>) semaphore(%arg9 : memref<!tpu.dma_semaphore, #tpu.memory_space<semaphore_mem>>)
    %dma_start3A_72 = arith.constant 6 : i32
    %dma_start3A_73 = arith.constant 6 : i32
    %dma_start3A_74 = arith.constant 0 : i32
    %dma_start3A_75 = arith.constant 0 : i32
    %dma_start3A_76 = tpu.memref_slice %arg7[%dma_start3A_73, %dma_start3A_74, %dma_start3A_75] : memref<16x128x16xf32, #tpu.memory_space<vmem>> -> memref<1x128x16xf32, #tpu.memory_space<vmem>>
    %dma_start3A_77 = tpu.memref_squeeze %dma_start3A_76 : memref<1x128x16xf32, #tpu.memory_space<vmem>> -> memref<128x16xf32, #tpu.memory_space<vmem>>
    %dma_start3A_78 = arith.constant 0 : i32
    %dma_start3A_79 = tpu.memref_slice %arg6[%dma_start3A_72, %dma_start3A_78] : memref<16x128xi32, #tpu.memory_space<vmem>> -> memref<1x128xi32, #tpu.memory_space<vmem>>
    %dma_start3A_80 = tpu.memref_squeeze %dma_start3A_79 : memref<1x128xi32, #tpu.memory_space<vmem>> -> memref<128xi32, #tpu.memory_space<vmem>>
    %dma_start3A_81 = arith.constant 0 : i32
    %dma_start3A_82 = arith.constant 0 : i32
    %dma_start3A_83 = tpu.memref_slice %arg4[%dma_start3A_81, %dma_start3A_82] : memref<4096x16xf32, #tpu.memory_space<hbm>> -> memref<4096x16xf32, #tpu.memory_space<hbm>>
    tpu.enqueue_indirect_dma source(%dma_start3A_83 : memref<4096x16xf32, #tpu.memory_space<hbm>>) target(%dma_start3A_77 : memref<128x16xf32, #tpu.memory_space<vmem>>) offsets(%dma_start3A_80 : memref<128xi32, #tpu.memory_space<vmem>>) semaphore(%arg9 : memref<!tpu.dma_semaphore, #tpu.memory_space<semaphore_mem>>)
    %dma_start3A_84 = arith.constant 7 : i32
    %dma_start3A_85 = arith.constant 7 : i32
    %dma_start3A_86 = arith.constant 0 : i32
    %dma_start3A_87 = arith.constant 0 : i32
    %dma_start3A_88 = tpu.memref_slice %arg7[%dma_start3A_85, %dma_start3A_86, %dma_start3A_87] : memref<16x128x16xf32, #tpu.memory_space<vmem>> -> memref<1x128x16xf32, #tpu.memory_space<vmem>>
    %dma_start3A_89 = tpu.memref_squeeze %dma_start3A_88 : memref<1x128x16xf32, #tpu.memory_space<vmem>> -> memref<128x16xf32, #tpu.memory_space<vmem>>
    %dma_start3A_90 = arith.constant 0 : i32
    %dma_start3A_91 = tpu.memref_slice %arg6[%dma_start3A_84, %dma_start3A_90] : memref<16x128xi32, #tpu.memory_space<vmem>> -> memref<1x128xi32, #tpu.memory_space<vmem>>
    %dma_start3A_92 = tpu.memref_squeeze %dma_start3A_91 : memref<1x128xi32, #tpu.memory_space<vmem>> -> memref<128xi32, #tpu.memory_space<vmem>>
    %dma_start3A_93 = arith.constant 0 : i32
    %dma_start3A_94 = arith.constant 0 : i32
    %dma_start3A_95 = tpu.memref_slice %arg4[%dma_start3A_93, %dma_start3A_94] : memref<4096x16xf32, #tpu.memory_space<hbm>> -> memref<4096x16xf32, #tpu.memory_space<hbm>>
    tpu.enqueue_indirect_dma source(%dma_start3A_95 : memref<4096x16xf32, #tpu.memory_space<hbm>>) target(%dma_start3A_89 : memref<128x16xf32, #tpu.memory_space<vmem>>) offsets(%dma_start3A_92 : memref<128xi32, #tpu.memory_space<vmem>>) semaphore(%arg9 : memref<!tpu.dma_semaphore, #tpu.memory_space<semaphore_mem>>)
    %dma_start3A_96 = arith.constant 8 : i32
    %dma_start3A_97 = arith.constant 8 : i32
    %dma_start3A_98 = arith.constant 0 : i32
    %dma_start3A_99 = arith.constant 0 : i32
    %dma_start3A_100 = tpu.memref_slice %arg7[%dma_start3A_97, %dma_start3A_98, %dma_start3A_99] : memref<16x128x16xf32, #tpu.memory_space<vmem>> -> memref<1x128x16xf32, #tpu.memory_space<vmem>>
    %dma_start3A_101 = tpu.memref_squeeze %dma_start3A_100 : memref<1x128x16xf32, #tpu.memory_space<vmem>> -> memref<128x16xf32, #tpu.memory_space<vmem>>
    %dma_start3A_102 = arith.constant 0 : i32
    %dma_start3A_103 = tpu.memref_slice %arg6[%dma_start3A_96, %dma_start3A_102] : memref<16x128xi32, #tpu.memory_space<vmem>> -> memref<1x128xi32, #tpu.memory_space<vmem>>
    %dma_start3A_104 = tpu.memref_squeeze %dma_start3A_103 : memref<1x128xi32, #tpu.memory_space<vmem>> -> memref<128xi32, #tpu.memory_space<vmem>>
    %dma_start3A_105 = arith.constant 0 : i32
    %dma_start3A_106 = arith.constant 0 : i32
    %dma_start3A_107 = tpu.memref_slice %arg4[%dma_start3A_105, %dma_start3A_106] : memref<4096x16xf32, #tpu.memory_space<hbm>> -> memref<4096x16xf32, #tpu.memory_space<hbm>>
    tpu.enqueue_indirect_dma source(%dma_start3A_107 : memref<4096x16xf32, #tpu.memory_space<hbm>>) target(%dma_start3A_101 : memref<128x16xf32, #tpu.memory_space<vmem>>) offsets(%dma_start3A_104 : memref<128xi32, #tpu.memory_space<vmem>>) semaphore(%arg9 : memref<!tpu.dma_semaphore, #tpu.memory_space<semaphore_mem>>)
    %dma_start3A_108 = arith.constant 9 : i32
    %dma_start3A_109 = arith.constant 9 : i32
    %dma_start3A_110 = arith.constant 0 : i32
    %dma_start3A_111 = arith.constant 0 : i32
    %dma_start3A_112 = tpu.memref_slice %arg7[%dma_start3A_109, %dma_start3A_110, %dma_start3A_111] : memref<16x128x16xf32, #tpu.memory_space<vmem>> -> memref<1x128x16xf32, #tpu.memory_space<vmem>>
    %dma_start3A_113 = tpu.memref_squeeze %dma_start3A_112 : memref<1x128x16xf32, #tpu.memory_space<vmem>> -> memref<128x16xf32, #tpu.memory_space<vmem>>
    %dma_start3A_114 = arith.constant 0 : i32
    %dma_start3A_115 = tpu.memref_slice %arg6[%dma_start3A_108, %dma_start3A_114] : memref<16x128xi32, #tpu.memory_space<vmem>> -> memref<1x128xi32, #tpu.memory_space<vmem>>
    %dma_start3A_116 = tpu.memref_squeeze %dma_start3A_115 : memref<1x128xi32, #tpu.memory_space<vmem>> -> memref<128xi32, #tpu.memory_space<vmem>>
    %dma_start3A_117 = arith.constant 0 : i32
    %dma_start3A_118 = arith.constant 0 : i32
    %dma_start3A_119 = tpu.memref_slice %arg4[%dma_start3A_117, %dma_start3A_118] : memref<4096x16xf32, #tpu.memory_space<hbm>> -> memref<4096x16xf32, #tpu.memory_space<hbm>>
    tpu.enqueue_indirect_dma source(%dma_start3A_119 : memref<4096x16xf32, #tpu.memory_space<hbm>>) target(%dma_start3A_113 : memref<128x16xf32, #tpu.memory_space<vmem>>) offsets(%dma_start3A_116 : memref<128xi32, #tpu.memory_space<vmem>>) semaphore(%arg9 : memref<!tpu.dma_semaphore, #tpu.memory_space<semaphore_mem>>)
    %dma_start3A_120 = arith.constant 10 : i32
    %dma_start3A_121 = arith.constant 10 : i32
    %dma_start3A_122 = arith.constant 0 : i32
    %dma_start3A_123 = arith.constant 0 : i32
    %dma_start3A_124 = tpu.memref_slice %arg7[%dma_start3A_121, %dma_start3A_122, %dma_start3A_123] : memref<16x128x16xf32, #tpu.memory_space<vmem>> -> memref<1x128x16xf32, #tpu.memory_space<vmem>>
    %dma_start3A_125 = tpu.memref_squeeze %dma_start3A_124 : memref<1x128x16xf32, #tpu.memory_space<vmem>> -> memref<128x16xf32, #tpu.memory_space<vmem>>
    %dma_start3A_126 = arith.constant 0 : i32
    %dma_start3A_127 = tpu.memref_slice %arg6[%dma_start3A_120, %dma_start3A_126] : memref<16x128xi32, #tpu.memory_space<vmem>> -> memref<1x128xi32, #tpu.memory_space<vmem>>
    %dma_start3A_128 = tpu.memref_squeeze %dma_start3A_127 : memref<1x128xi32, #tpu.memory_space<vmem>> -> memref<128xi32, #tpu.memory_space<vmem>>
    %dma_start3A_129 = arith.constant 0 : i32
    %dma_start3A_130 = arith.constant 0 : i32
    %dma_start3A_131 = tpu.memref_slice %arg4[%dma_start3A_129, %dma_start3A_130] : memref<4096x16xf32, #tpu.memory_space<hbm>> -> memref<4096x16xf32, #tpu.memory_space<hbm>>
    tpu.enqueue_indirect_dma source(%dma_start3A_131 : memref<4096x16xf32, #tpu.memory_space<hbm>>) target(%dma_start3A_125 : memref<128x16xf32, #tpu.memory_space<vmem>>) offsets(%dma_start3A_128 : memref<128xi32, #tpu.memory_space<vmem>>) semaphore(%arg9 : memref<!tpu.dma_semaphore, #tpu.memory_space<semaphore_mem>>)
    %dma_start3A_132 = arith.constant 11 : i32
    %dma_start3A_133 = arith.constant 11 : i32
    %dma_start3A_134 = arith.constant 0 : i32
    %dma_start3A_135 = arith.constant 0 : i32
    %dma_start3A_136 = tpu.memref_slice %arg7[%dma_start3A_133, %dma_start3A_134, %dma_start3A_135] : memref<16x128x16xf32, #tpu.memory_space<vmem>> -> memref<1x128x16xf32, #tpu.memory_space<vmem>>
    %dma_start3A_137 = tpu.memref_squeeze %dma_start3A_136 : memref<1x128x16xf32, #tpu.memory_space<vmem>> -> memref<128x16xf32, #tpu.memory_space<vmem>>
    %dma_start3A_138 = arith.constant 0 : i32
    %dma_start3A_139 = tpu.memref_slice %arg6[%dma_start3A_132, %dma_start3A_138] : memref<16x128xi32, #tpu.memory_space<vmem>> -> memref<1x128xi32, #tpu.memory_space<vmem>>
    %dma_start3A_140 = tpu.memref_squeeze %dma_start3A_139 : memref<1x128xi32, #tpu.memory_space<vmem>> -> memref<128xi32, #tpu.memory_space<vmem>>
    %dma_start3A_141 = arith.constant 0 : i32
    %dma_start3A_142 = arith.constant 0 : i32
    %dma_start3A_143 = tpu.memref_slice %arg4[%dma_start3A_141, %dma_start3A_142] : memref<4096x16xf32, #tpu.memory_space<hbm>> -> memref<4096x16xf32, #tpu.memory_space<hbm>>
    tpu.enqueue_indirect_dma source(%dma_start3A_143 : memref<4096x16xf32, #tpu.memory_space<hbm>>) target(%dma_start3A_137 : memref<128x16xf32, #tpu.memory_space<vmem>>) offsets(%dma_start3A_140 : memref<128xi32, #tpu.memory_space<vmem>>) semaphore(%arg9 : memref<!tpu.dma_semaphore, #tpu.memory_space<semaphore_mem>>)
    %dma_start3A_144 = arith.constant 12 : i32
    %dma_start3A_145 = arith.constant 12 : i32
    %dma_start3A_146 = arith.constant 0 : i32
    %dma_start3A_147 = arith.constant 0 : i32
    %dma_start3A_148 = tpu.memref_slice %arg7[%dma_start3A_145, %dma_start3A_146, %dma_start3A_147] : memref<16x128x16xf32, #tpu.memory_space<vmem>> -> memref<1x128x16xf32, #tpu.memory_space<vmem>>
    %dma_start3A_149 = tpu.memref_squeeze %dma_start3A_148 : memref<1x128x16xf32, #tpu.memory_space<vmem>> -> memref<128x16xf32, #tpu.memory_space<vmem>>
    %dma_start3A_150 = arith.constant 0 : i32
    %dma_start3A_151 = tpu.memref_slice %arg6[%dma_start3A_144, %dma_start3A_150] : memref<16x128xi32, #tpu.memory_space<vmem>> -> memref<1x128xi32, #tpu.memory_space<vmem>>
    %dma_start3A_152 = tpu.memref_squeeze %dma_start3A_151 : memref<1x128xi32, #tpu.memory_space<vmem>> -> memref<128xi32, #tpu.memory_space<vmem>>
    %dma_start3A_153 = arith.constant 0 : i32
    %dma_start3A_154 = arith.constant 0 : i32
    %dma_start3A_155 = tpu.memref_slice %arg4[%dma_start3A_153, %dma_start3A_154] : memref<4096x16xf32, #tpu.memory_space<hbm>> -> memref<4096x16xf32, #tpu.memory_space<hbm>>
    tpu.enqueue_indirect_dma source(%dma_start3A_155 : memref<4096x16xf32, #tpu.memory_space<hbm>>) target(%dma_start3A_149 : memref<128x16xf32, #tpu.memory_space<vmem>>) offsets(%dma_start3A_152 : memref<128xi32, #tpu.memory_space<vmem>>) semaphore(%arg9 : memref<!tpu.dma_semaphore, #tpu.memory_space<semaphore_mem>>)
    %dma_start3A_156 = arith.constant 13 : i32
    %dma_start3A_157 = arith.constant 13 : i32
    %dma_start3A_158 = arith.constant 0 : i32
    %dma_start3A_159 = arith.constant 0 : i32
    %dma_start3A_160 = tpu.memref_slice %arg7[%dma_start3A_157, %dma_start3A_158, %dma_start3A_159] : memref<16x128x16xf32, #tpu.memory_space<vmem>> -> memref<1x128x16xf32, #tpu.memory_space<vmem>>
    %dma_start3A_161 = tpu.memref_squeeze %dma_start3A_160 : memref<1x128x16xf32, #tpu.memory_space<vmem>> -> memref<128x16xf32, #tpu.memory_space<vmem>>
    %dma_start3A_162 = arith.constant 0 : i32
    %dma_start3A_163 = tpu.memref_slice %arg6[%dma_start3A_156, %dma_start3A_162] : memref<16x128xi32, #tpu.memory_space<vmem>> -> memref<1x128xi32, #tpu.memory_space<vmem>>
    %dma_start3A_164 = tpu.memref_squeeze %dma_start3A_163 : memref<1x128xi32, #tpu.memory_space<vmem>> -> memref<128xi32, #tpu.memory_space<vmem>>
    %dma_start3A_165 = arith.constant 0 : i32
    %dma_start3A_166 = arith.constant 0 : i32
    %dma_start3A_167 = tpu.memref_slice %arg4[%dma_start3A_165, %dma_start3A_166] : memref<4096x16xf32, #tpu.memory_space<hbm>> -> memref<4096x16xf32, #tpu.memory_space<hbm>>
    tpu.enqueue_indirect_dma source(%dma_start3A_167 : memref<4096x16xf32, #tpu.memory_space<hbm>>) target(%dma_start3A_161 : memref<128x16xf32, #tpu.memory_space<vmem>>) offsets(%dma_start3A_164 : memref<128xi32, #tpu.memory_space<vmem>>) semaphore(%arg9 : memref<!tpu.dma_semaphore, #tpu.memory_space<semaphore_mem>>)
    %dma_start3A_168 = arith.constant 14 : i32
    %dma_start3A_169 = arith.constant 14 : i32
    %dma_start3A_170 = arith.constant 0 : i32
    %dma_start3A_171 = arith.constant 0 : i32
    %dma_start3A_172 = tpu.memref_slice %arg7[%dma_start3A_169, %dma_start3A_170, %dma_start3A_171] : memref<16x128x16xf32, #tpu.memory_space<vmem>> -> memref<1x128x16xf32, #tpu.memory_space<vmem>>
    %dma_start3A_173 = tpu.memref_squeeze %dma_start3A_172 : memref<1x128x16xf32, #tpu.memory_space<vmem>> -> memref<128x16xf32, #tpu.memory_space<vmem>>
    %dma_start3A_174 = arith.constant 0 : i32
    %dma_start3A_175 = tpu.memref_slice %arg6[%dma_start3A_168, %dma_start3A_174] : memref<16x128xi32, #tpu.memory_space<vmem>> -> memref<1x128xi32, #tpu.memory_space<vmem>>
    %dma_start3A_176 = tpu.memref_squeeze %dma_start3A_175 : memref<1x128xi32, #tpu.memory_space<vmem>> -> memref<128xi32, #tpu.memory_space<vmem>>
    %dma_start3A_177 = arith.constant 0 : i32
    %dma_start3A_178 = arith.constant 0 : i32
    %dma_start3A_179 = tpu.memref_slice %arg4[%dma_start3A_177, %dma_start3A_178] : memref<4096x16xf32, #tpu.memory_space<hbm>> -> memref<4096x16xf32, #tpu.memory_space<hbm>>
    tpu.enqueue_indirect_dma source(%dma_start3A_179 : memref<4096x16xf32, #tpu.memory_space<hbm>>) target(%dma_start3A_173 : memref<128x16xf32, #tpu.memory_space<vmem>>) offsets(%dma_start3A_176 : memref<128xi32, #tpu.memory_space<vmem>>) semaphore(%arg9 : memref<!tpu.dma_semaphore, #tpu.memory_space<semaphore_mem>>)
    %dma_start3A_180 = arith.constant 15 : i32
    %dma_start3A_181 = arith.constant 15 : i32
    %dma_start3A_182 = arith.constant 0 : i32
    %dma_start3A_183 = arith.constant 0 : i32
    %dma_start3A_184 = tpu.memref_slice %arg7[%dma_start3A_181, %dma_start3A_182, %dma_start3A_183] : memref<16x128x16xf32, #tpu.memory_space<vmem>> -> memref<1x128x16xf32, #tpu.memory_space<vmem>>
    %dma_start3A_185 = tpu.memref_squeeze %dma_start3A_184 : memref<1x128x16xf32, #tpu.memory_space<vmem>> -> memref<128x16xf32, #tpu.memory_space<vmem>>
    %dma_start3A_186 = arith.constant 0 : i32
    %dma_start3A_187 = tpu.memref_slice %arg6[%dma_start3A_180, %dma_start3A_186] : memref<16x128xi32, #tpu.memory_space<vmem>> -> memref<1x128xi32, #tpu.memory_space<vmem>>
    %dma_start3A_188 = tpu.memref_squeeze %dma_start3A_187 : memref<1x128xi32, #tpu.memory_space<vmem>> -> memref<128xi32, #tpu.memory_space<vmem>>
    %dma_start3A_189 = arith.constant 0 : i32
    %dma_start3A_190 = arith.constant 0 : i32
    %dma_start3A_191 = tpu.memref_slice %arg4[%dma_start3A_189, %dma_start3A_190] : memref<4096x16xf32, #tpu.memory_space<hbm>> -> memref<4096x16xf32, #tpu.memory_space<hbm>>
    tpu.enqueue_indirect_dma source(%dma_start3A_191 : memref<4096x16xf32, #tpu.memory_space<hbm>>) target(%dma_start3A_185 : memref<128x16xf32, #tpu.memory_space<vmem>>) offsets(%dma_start3A_188 : memref<128xi32, #tpu.memory_space<vmem>>) semaphore(%arg9 : memref<!tpu.dma_semaphore, #tpu.memory_space<semaphore_mem>>)
    %dma_wait3A = arith.constant 0 : i32
    %dma_wait3A_192 = arith.constant 0 : i32
    %dma_wait3A_193 = arith.constant 0 : i32
    %dma_wait3A_194 = arith.constant 0 : i32
    %dma_wait3A_195 = tpu.memref_slice %arg7[%dma_wait3A_192, %dma_wait3A_193, %dma_wait3A_194] : memref<16x128x16xf32, #tpu.memory_space<vmem>> -> memref<1x128x16xf32, #tpu.memory_space<vmem>>
    %dma_wait3A_196 = tpu.memref_squeeze %dma_wait3A_195 : memref<1x128x16xf32, #tpu.memory_space<vmem>> -> memref<128x16xf32, #tpu.memory_space<vmem>>
    %dma_wait3A_197 = arith.constant 0 : i32
    %dma_wait3A_198 = tpu.memref_slice %arg6[%dma_wait3A, %dma_wait3A_197] : memref<16x128xi32, #tpu.memory_space<vmem>> -> memref<1x128xi32, #tpu.memory_space<vmem>>
    %dma_wait3A_199 = tpu.memref_squeeze %dma_wait3A_198 : memref<1x128xi32, #tpu.memory_space<vmem>> -> memref<128xi32, #tpu.memory_space<vmem>>
    %dma_wait3A_200 = arith.constant 0 : i32
    %dma_wait3A_201 = arith.constant 0 : i32
    %dma_wait3A_202 = tpu.memref_slice %arg4[%dma_wait3A_200, %dma_wait3A_201] : memref<4096x16xf32, #tpu.memory_space<hbm>> -> memref<4096x16xf32, #tpu.memory_space<hbm>>
    tpu.wait_indirect_dma semaphore(%arg9 : memref<!tpu.dma_semaphore, #tpu.memory_space<semaphore_mem>>) src(%dma_wait3A_202 : memref<4096x16xf32, #tpu.memory_space<hbm>>) dst(%dma_wait3A_196 : memref<128x16xf32, #tpu.memory_space<vmem>>)
    %dma_wait3A_203 = arith.constant 1 : i32
    %dma_wait3A_204 = arith.constant 1 : i32
    %dma_wait3A_205 = arith.constant 0 : i32
    %dma_wait3A_206 = arith.constant 0 : i32
    %dma_wait3A_207 = tpu.memref_slice %arg7[%dma_wait3A_204, %dma_wait3A_205, %dma_wait3A_206] : memref<16x128x16xf32, #tpu.memory_space<vmem>> -> memref<1x128x16xf32, #tpu.memory_space<vmem>>
    %dma_wait3A_208 = tpu.memref_squeeze %dma_wait3A_207 : memref<1x128x16xf32, #tpu.memory_space<vmem>> -> memref<128x16xf32, #tpu.memory_space<vmem>>
    %dma_wait3A_209 = arith.constant 0 : i32
    %dma_wait3A_210 = tpu.memref_slice %arg6[%dma_wait3A_203, %dma_wait3A_209] : memref<16x128xi32, #tpu.memory_space<vmem>> -> memref<1x128xi32, #tpu.memory_space<vmem>>
    %dma_wait3A_211 = tpu.memref_squeeze %dma_wait3A_210 : memref<1x128xi32, #tpu.memory_space<vmem>> -> memref<128xi32, #tpu.memory_space<vmem>>
    %dma_wait3A_212 = arith.constant 0 : i32
    %dma_wait3A_213 = arith.constant 0 : i32
    %dma_wait3A_214 = tpu.memref_slice %arg4[%dma_wait3A_212, %dma_wait3A_213] : memref<4096x16xf32, #tpu.memory_space<hbm>> -> memref<4096x16xf32, #tpu.memory_space<hbm>>
    tpu.wait_indirect_dma semaphore(%arg9 : memref<!tpu.dma_semaphore, #tpu.memory_space<semaphore_mem>>) src(%dma_wait3A_214 : memref<4096x16xf32, #tpu.memory_space<hbm>>) dst(%dma_wait3A_208 : memref<128x16xf32, #tpu.memory_space<vmem>>)
    %dma_wait3A_215 = arith.constant 2 : i32
    %dma_wait3A_216 = arith.constant 2 : i32
    %dma_wait3A_217 = arith.constant 0 : i32
    %dma_wait3A_218 = arith.constant 0 : i32
    %dma_wait3A_219 = tpu.memref_slice %arg7[%dma_wait3A_216, %dma_wait3A_217, %dma_wait3A_218] : memref<16x128x16xf32, #tpu.memory_space<vmem>> -> memref<1x128x16xf32, #tpu.memory_space<vmem>>
    %dma_wait3A_220 = tpu.memref_squeeze %dma_wait3A_219 : memref<1x128x16xf32, #tpu.memory_space<vmem>> -> memref<128x16xf32, #tpu.memory_space<vmem>>
    %dma_wait3A_221 = arith.constant 0 : i32
    %dma_wait3A_222 = tpu.memref_slice %arg6[%dma_wait3A_215, %dma_wait3A_221] : memref<16x128xi32, #tpu.memory_space<vmem>> -> memref<1x128xi32, #tpu.memory_space<vmem>>
    %dma_wait3A_223 = tpu.memref_squeeze %dma_wait3A_222 : memref<1x128xi32, #tpu.memory_space<vmem>> -> memref<128xi32, #tpu.memory_space<vmem>>
    %dma_wait3A_224 = arith.constant 0 : i32
    %dma_wait3A_225 = arith.constant 0 : i32
    %dma_wait3A_226 = tpu.memref_slice %arg4[%dma_wait3A_224, %dma_wait3A_225] : memref<4096x16xf32, #tpu.memory_space<hbm>> -> memref<4096x16xf32, #tpu.memory_space<hbm>>
    tpu.wait_indirect_dma semaphore(%arg9 : memref<!tpu.dma_semaphore, #tpu.memory_space<semaphore_mem>>) src(%dma_wait3A_226 : memref<4096x16xf32, #tpu.memory_space<hbm>>) dst(%dma_wait3A_220 : memref<128x16xf32, #tpu.memory_space<vmem>>)
    %dma_wait3A_227 = arith.constant 3 : i32
    %dma_wait3A_228 = arith.constant 3 : i32
    %dma_wait3A_229 = arith.constant 0 : i32
    %dma_wait3A_230 = arith.constant 0 : i32
    %dma_wait3A_231 = tpu.memref_slice %arg7[%dma_wait3A_228, %dma_wait3A_229, %dma_wait3A_230] : memref<16x128x16xf32, #tpu.memory_space<vmem>> -> memref<1x128x16xf32, #tpu.memory_space<vmem>>
    %dma_wait3A_232 = tpu.memref_squeeze %dma_wait3A_231 : memref<1x128x16xf32, #tpu.memory_space<vmem>> -> memref<128x16xf32, #tpu.memory_space<vmem>>
    %dma_wait3A_233 = arith.constant 0 : i32
    %dma_wait3A_234 = tpu.memref_slice %arg6[%dma_wait3A_227, %dma_wait3A_233] : memref<16x128xi32, #tpu.memory_space<vmem>> -> memref<1x128xi32, #tpu.memory_space<vmem>>
    %dma_wait3A_235 = tpu.memref_squeeze %dma_wait3A_234 : memref<1x128xi32, #tpu.memory_space<vmem>> -> memref<128xi32, #tpu.memory_space<vmem>>
    %dma_wait3A_236 = arith.constant 0 : i32
    %dma_wait3A_237 = arith.constant 0 : i32
    %dma_wait3A_238 = tpu.memref_slice %arg4[%dma_wait3A_236, %dma_wait3A_237] : memref<4096x16xf32, #tpu.memory_space<hbm>> -> memref<4096x16xf32, #tpu.memory_space<hbm>>
    tpu.wait_indirect_dma semaphore(%arg9 : memref<!tpu.dma_semaphore, #tpu.memory_space<semaphore_mem>>) src(%dma_wait3A_238 : memref<4096x16xf32, #tpu.memory_space<hbm>>) dst(%dma_wait3A_232 : memref<128x16xf32, #tpu.memory_space<vmem>>)
    %dma_wait3A_239 = arith.constant 4 : i32
    %dma_wait3A_240 = arith.constant 4 : i32
    %dma_wait3A_241 = arith.constant 0 : i32
    %dma_wait3A_242 = arith.constant 0 : i32
    %dma_wait3A_243 = tpu.memref_slice %arg7[%dma_wait3A_240, %dma_wait3A_241, %dma_wait3A_242] : memref<16x128x16xf32, #tpu.memory_space<vmem>> -> memref<1x128x16xf32, #tpu.memory_space<vmem>>
    %dma_wait3A_244 = tpu.memref_squeeze %dma_wait3A_243 : memref<1x128x16xf32, #tpu.memory_space<vmem>> -> memref<128x16xf32, #tpu.memory_space<vmem>>
    %dma_wait3A_245 = arith.constant 0 : i32
    %dma_wait3A_246 = tpu.memref_slice %arg6[%dma_wait3A_239, %dma_wait3A_245] : memref<16x128xi32, #tpu.memory_space<vmem>> -> memref<1x128xi32, #tpu.memory_space<vmem>>
    %dma_wait3A_247 = tpu.memref_squeeze %dma_wait3A_246 : memref<1x128xi32, #tpu.memory_space<vmem>> -> memref<128xi32, #tpu.memory_space<vmem>>
    %dma_wait3A_248 = arith.constant 0 : i32
    %dma_wait3A_249 = arith.constant 0 : i32
    %dma_wait3A_250 = tpu.memref_slice %arg4[%dma_wait3A_248, %dma_wait3A_249] : memref<4096x16xf32, #tpu.memory_space<hbm>> -> memref<4096x16xf32, #tpu.memory_space<hbm>>
    tpu.wait_indirect_dma semaphore(%arg9 : memref<!tpu.dma_semaphore, #tpu.memory_space<semaphore_mem>>) src(%dma_wait3A_250 : memref<4096x16xf32, #tpu.memory_space<hbm>>) dst(%dma_wait3A_244 : memref<128x16xf32, #tpu.memory_space<vmem>>)
    %dma_wait3A_251 = arith.constant 5 : i32
    %dma_wait3A_252 = arith.constant 5 : i32
    %dma_wait3A_253 = arith.constant 0 : i32
    %dma_wait3A_254 = arith.constant 0 : i32
    %dma_wait3A_255 = tpu.memref_slice %arg7[%dma_wait3A_252, %dma_wait3A_253, %dma_wait3A_254] : memref<16x128x16xf32, #tpu.memory_space<vmem>> -> memref<1x128x16xf32, #tpu.memory_space<vmem>>
    %dma_wait3A_256 = tpu.memref_squeeze %dma_wait3A_255 : memref<1x128x16xf32, #tpu.memory_space<vmem>> -> memref<128x16xf32, #tpu.memory_space<vmem>>
    %dma_wait3A_257 = arith.constant 0 : i32
    %dma_wait3A_258 = tpu.memref_slice %arg6[%dma_wait3A_251, %dma_wait3A_257] : memref<16x128xi32, #tpu.memory_space<vmem>> -> memref<1x128xi32, #tpu.memory_space<vmem>>
    %dma_wait3A_259 = tpu.memref_squeeze %dma_wait3A_258 : memref<1x128xi32, #tpu.memory_space<vmem>> -> memref<128xi32, #tpu.memory_space<vmem>>
    %dma_wait3A_260 = arith.constant 0 : i32
    %dma_wait3A_261 = arith.constant 0 : i32
    %dma_wait3A_262 = tpu.memref_slice %arg4[%dma_wait3A_260, %dma_wait3A_261] : memref<4096x16xf32, #tpu.memory_space<hbm>> -> memref<4096x16xf32, #tpu.memory_space<hbm>>
    tpu.wait_indirect_dma semaphore(%arg9 : memref<!tpu.dma_semaphore, #tpu.memory_space<semaphore_mem>>) src(%dma_wait3A_262 : memref<4096x16xf32, #tpu.memory_space<hbm>>) dst(%dma_wait3A_256 : memref<128x16xf32, #tpu.memory_space<vmem>>)
    %dma_wait3A_263 = arith.constant 6 : i32
    %dma_wait3A_264 = arith.constant 6 : i32
    %dma_wait3A_265 = arith.constant 0 : i32
    %dma_wait3A_266 = arith.constant 0 : i32
    %dma_wait3A_267 = tpu.memref_slice %arg7[%dma_wait3A_264, %dma_wait3A_265, %dma_wait3A_266] : memref<16x128x16xf32, #tpu.memory_space<vmem>> -> memref<1x128x16xf32, #tpu.memory_space<vmem>>
    %dma_wait3A_268 = tpu.memref_squeeze %dma_wait3A_267 : memref<1x128x16xf32, #tpu.memory_space<vmem>> -> memref<128x16xf32, #tpu.memory_space<vmem>>
    %dma_wait3A_269 = arith.constant 0 : i32
    %dma_wait3A_270 = tpu.memref_slice %arg6[%dma_wait3A_263, %dma_wait3A_269] : memref<16x128xi32, #tpu.memory_space<vmem>> -> memref<1x128xi32, #tpu.memory_space<vmem>>
    %dma_wait3A_271 = tpu.memref_squeeze %dma_wait3A_270 : memref<1x128xi32, #tpu.memory_space<vmem>> -> memref<128xi32, #tpu.memory_space<vmem>>
    %dma_wait3A_272 = arith.constant 0 : i32
    %dma_wait3A_273 = arith.constant 0 : i32
    %dma_wait3A_274 = tpu.memref_slice %arg4[%dma_wait3A_272, %dma_wait3A_273] : memref<4096x16xf32, #tpu.memory_space<hbm>> -> memref<4096x16xf32, #tpu.memory_space<hbm>>
    tpu.wait_indirect_dma semaphore(%arg9 : memref<!tpu.dma_semaphore, #tpu.memory_space<semaphore_mem>>) src(%dma_wait3A_274 : memref<4096x16xf32, #tpu.memory_space<hbm>>) dst(%dma_wait3A_268 : memref<128x16xf32, #tpu.memory_space<vmem>>)
    %dma_wait3A_275 = arith.constant 7 : i32
    %dma_wait3A_276 = arith.constant 7 : i32
    %dma_wait3A_277 = arith.constant 0 : i32
    %dma_wait3A_278 = arith.constant 0 : i32
    %dma_wait3A_279 = tpu.memref_slice %arg7[%dma_wait3A_276, %dma_wait3A_277, %dma_wait3A_278] : memref<16x128x16xf32, #tpu.memory_space<vmem>> -> memref<1x128x16xf32, #tpu.memory_space<vmem>>
    %dma_wait3A_280 = tpu.memref_squeeze %dma_wait3A_279 : memref<1x128x16xf32, #tpu.memory_space<vmem>> -> memref<128x16xf32, #tpu.memory_space<vmem>>
    %dma_wait3A_281 = arith.constant 0 : i32
    %dma_wait3A_282 = tpu.memref_slice %arg6[%dma_wait3A_275, %dma_wait3A_281] : memref<16x128xi32, #tpu.memory_space<vmem>> -> memref<1x128xi32, #tpu.memory_space<vmem>>
    %dma_wait3A_283 = tpu.memref_squeeze %dma_wait3A_282 : memref<1x128xi32, #tpu.memory_space<vmem>> -> memref<128xi32, #tpu.memory_space<vmem>>
    %dma_wait3A_284 = arith.constant 0 : i32
    %dma_wait3A_285 = arith.constant 0 : i32
    %dma_wait3A_286 = tpu.memref_slice %arg4[%dma_wait3A_284, %dma_wait3A_285] : memref<4096x16xf32, #tpu.memory_space<hbm>> -> memref<4096x16xf32, #tpu.memory_space<hbm>>
    tpu.wait_indirect_dma semaphore(%arg9 : memref<!tpu.dma_semaphore, #tpu.memory_space<semaphore_mem>>) src(%dma_wait3A_286 : memref<4096x16xf32, #tpu.memory_space<hbm>>) dst(%dma_wait3A_280 : memref<128x16xf32, #tpu.memory_space<vmem>>)
    %dma_wait3A_287 = arith.constant 8 : i32
    %dma_wait3A_288 = arith.constant 8 : i32
    %dma_wait3A_289 = arith.constant 0 : i32
    %dma_wait3A_290 = arith.constant 0 : i32
    %dma_wait3A_291 = tpu.memref_slice %arg7[%dma_wait3A_288, %dma_wait3A_289, %dma_wait3A_290] : memref<16x128x16xf32, #tpu.memory_space<vmem>> -> memref<1x128x16xf32, #tpu.memory_space<vmem>>
    %dma_wait3A_292 = tpu.memref_squeeze %dma_wait3A_291 : memref<1x128x16xf32, #tpu.memory_space<vmem>> -> memref<128x16xf32, #tpu.memory_space<vmem>>
    %dma_wait3A_293 = arith.constant 0 : i32
    %dma_wait3A_294 = tpu.memref_slice %arg6[%dma_wait3A_287, %dma_wait3A_293] : memref<16x128xi32, #tpu.memory_space<vmem>> -> memref<1x128xi32, #tpu.memory_space<vmem>>
    %dma_wait3A_295 = tpu.memref_squeeze %dma_wait3A_294 : memref<1x128xi32, #tpu.memory_space<vmem>> -> memref<128xi32, #tpu.memory_space<vmem>>
    %dma_wait3A_296 = arith.constant 0 : i32
    %dma_wait3A_297 = arith.constant 0 : i32
    %dma_wait3A_298 = tpu.memref_slice %arg4[%dma_wait3A_296, %dma_wait3A_297] : memref<4096x16xf32, #tpu.memory_space<hbm>> -> memref<4096x16xf32, #tpu.memory_space<hbm>>
    tpu.wait_indirect_dma semaphore(%arg9 : memref<!tpu.dma_semaphore, #tpu.memory_space<semaphore_mem>>) src(%dma_wait3A_298 : memref<4096x16xf32, #tpu.memory_space<hbm>>) dst(%dma_wait3A_292 : memref<128x16xf32, #tpu.memory_space<vmem>>)
    %dma_wait3A_299 = arith.constant 9 : i32
    %dma_wait3A_300 = arith.constant 9 : i32
    %dma_wait3A_301 = arith.constant 0 : i32
    %dma_wait3A_302 = arith.constant 0 : i32
    %dma_wait3A_303 = tpu.memref_slice %arg7[%dma_wait3A_300, %dma_wait3A_301, %dma_wait3A_302] : memref<16x128x16xf32, #tpu.memory_space<vmem>> -> memref<1x128x16xf32, #tpu.memory_space<vmem>>
    %dma_wait3A_304 = tpu.memref_squeeze %dma_wait3A_303 : memref<1x128x16xf32, #tpu.memory_space<vmem>> -> memref<128x16xf32, #tpu.memory_space<vmem>>
    %dma_wait3A_305 = arith.constant 0 : i32
    %dma_wait3A_306 = tpu.memref_slice %arg6[%dma_wait3A_299, %dma_wait3A_305] : memref<16x128xi32, #tpu.memory_space<vmem>> -> memref<1x128xi32, #tpu.memory_space<vmem>>
    %dma_wait3A_307 = tpu.memref_squeeze %dma_wait3A_306 : memref<1x128xi32, #tpu.memory_space<vmem>> -> memref<128xi32, #tpu.memory_space<vmem>>
    %dma_wait3A_308 = arith.constant 0 : i32
    %dma_wait3A_309 = arith.constant 0 : i32
    %dma_wait3A_310 = tpu.memref_slice %arg4[%dma_wait3A_308, %dma_wait3A_309] : memref<4096x16xf32, #tpu.memory_space<hbm>> -> memref<4096x16xf32, #tpu.memory_space<hbm>>
    tpu.wait_indirect_dma semaphore(%arg9 : memref<!tpu.dma_semaphore, #tpu.memory_space<semaphore_mem>>) src(%dma_wait3A_310 : memref<4096x16xf32, #tpu.memory_space<hbm>>) dst(%dma_wait3A_304 : memref<128x16xf32, #tpu.memory_space<vmem>>)
    %dma_wait3A_311 = arith.constant 10 : i32
    %dma_wait3A_312 = arith.constant 10 : i32
    %dma_wait3A_313 = arith.constant 0 : i32
    %dma_wait3A_314 = arith.constant 0 : i32
    %dma_wait3A_315 = tpu.memref_slice %arg7[%dma_wait3A_312, %dma_wait3A_313, %dma_wait3A_314] : memref<16x128x16xf32, #tpu.memory_space<vmem>> -> memref<1x128x16xf32, #tpu.memory_space<vmem>>
    %dma_wait3A_316 = tpu.memref_squeeze %dma_wait3A_315 : memref<1x128x16xf32, #tpu.memory_space<vmem>> -> memref<128x16xf32, #tpu.memory_space<vmem>>
    %dma_wait3A_317 = arith.constant 0 : i32
    %dma_wait3A_318 = tpu.memref_slice %arg6[%dma_wait3A_311, %dma_wait3A_317] : memref<16x128xi32, #tpu.memory_space<vmem>> -> memref<1x128xi32, #tpu.memory_space<vmem>>
    %dma_wait3A_319 = tpu.memref_squeeze %dma_wait3A_318 : memref<1x128xi32, #tpu.memory_space<vmem>> -> memref<128xi32, #tpu.memory_space<vmem>>
    %dma_wait3A_320 = arith.constant 0 : i32
    %dma_wait3A_321 = arith.constant 0 : i32
    %dma_wait3A_322 = tpu.memref_slice %arg4[%dma_wait3A_320, %dma_wait3A_321] : memref<4096x16xf32, #tpu.memory_space<hbm>> -> memref<4096x16xf32, #tpu.memory_space<hbm>>
    tpu.wait_indirect_dma semaphore(%arg9 : memref<!tpu.dma_semaphore, #tpu.memory_space<semaphore_mem>>) src(%dma_wait3A_322 : memref<4096x16xf32, #tpu.memory_space<hbm>>) dst(%dma_wait3A_316 : memref<128x16xf32, #tpu.memory_space<vmem>>)
    %dma_wait3A_323 = arith.constant 11 : i32
    %dma_wait3A_324 = arith.constant 11 : i32
    %dma_wait3A_325 = arith.constant 0 : i32
    %dma_wait3A_326 = arith.constant 0 : i32
    %dma_wait3A_327 = tpu.memref_slice %arg7[%dma_wait3A_324, %dma_wait3A_325, %dma_wait3A_326] : memref<16x128x16xf32, #tpu.memory_space<vmem>> -> memref<1x128x16xf32, #tpu.memory_space<vmem>>
    %dma_wait3A_328 = tpu.memref_squeeze %dma_wait3A_327 : memref<1x128x16xf32, #tpu.memory_space<vmem>> -> memref<128x16xf32, #tpu.memory_space<vmem>>
    %dma_wait3A_329 = arith.constant 0 : i32
    %dma_wait3A_330 = tpu.memref_slice %arg6[%dma_wait3A_323, %dma_wait3A_329] : memref<16x128xi32, #tpu.memory_space<vmem>> -> memref<1x128xi32, #tpu.memory_space<vmem>>
    %dma_wait3A_331 = tpu.memref_squeeze %dma_wait3A_330 : memref<1x128xi32, #tpu.memory_space<vmem>> -> memref<128xi32, #tpu.memory_space<vmem>>
    %dma_wait3A_332 = arith.constant 0 : i32
    %dma_wait3A_333 = arith.constant 0 : i32
    %dma_wait3A_334 = tpu.memref_slice %arg4[%dma_wait3A_332, %dma_wait3A_333] : memref<4096x16xf32, #tpu.memory_space<hbm>> -> memref<4096x16xf32, #tpu.memory_space<hbm>>
    tpu.wait_indirect_dma semaphore(%arg9 : memref<!tpu.dma_semaphore, #tpu.memory_space<semaphore_mem>>) src(%dma_wait3A_334 : memref<4096x16xf32, #tpu.memory_space<hbm>>) dst(%dma_wait3A_328 : memref<128x16xf32, #tpu.memory_space<vmem>>)
    %dma_wait3A_335 = arith.constant 12 : i32
    %dma_wait3A_336 = arith.constant 12 : i32
    %dma_wait3A_337 = arith.constant 0 : i32
    %dma_wait3A_338 = arith.constant 0 : i32
    %dma_wait3A_339 = tpu.memref_slice %arg7[%dma_wait3A_336, %dma_wait3A_337, %dma_wait3A_338] : memref<16x128x16xf32, #tpu.memory_space<vmem>> -> memref<1x128x16xf32, #tpu.memory_space<vmem>>
    %dma_wait3A_340 = tpu.memref_squeeze %dma_wait3A_339 : memref<1x128x16xf32, #tpu.memory_space<vmem>> -> memref<128x16xf32, #tpu.memory_space<vmem>>
    %dma_wait3A_341 = arith.constant 0 : i32
    %dma_wait3A_342 = tpu.memref_slice %arg6[%dma_wait3A_335, %dma_wait3A_341] : memref<16x128xi32, #tpu.memory_space<vmem>> -> memref<1x128xi32, #tpu.memory_space<vmem>>
    %dma_wait3A_343 = tpu.memref_squeeze %dma_wait3A_342 : memref<1x128xi32, #tpu.memory_space<vmem>> -> memref<128xi32, #tpu.memory_space<vmem>>
    %dma_wait3A_344 = arith.constant 0 : i32
    %dma_wait3A_345 = arith.constant 0 : i32
    %dma_wait3A_346 = tpu.memref_slice %arg4[%dma_wait3A_344, %dma_wait3A_345] : memref<4096x16xf32, #tpu.memory_space<hbm>> -> memref<4096x16xf32, #tpu.memory_space<hbm>>
    tpu.wait_indirect_dma semaphore(%arg9 : memref<!tpu.dma_semaphore, #tpu.memory_space<semaphore_mem>>) src(%dma_wait3A_346 : memref<4096x16xf32, #tpu.memory_space<hbm>>) dst(%dma_wait3A_340 : memref<128x16xf32, #tpu.memory_space<vmem>>)
    %dma_wait3A_347 = arith.constant 13 : i32
    %dma_wait3A_348 = arith.constant 13 : i32
    %dma_wait3A_349 = arith.constant 0 : i32
    %dma_wait3A_350 = arith.constant 0 : i32
    %dma_wait3A_351 = tpu.memref_slice %arg7[%dma_wait3A_348, %dma_wait3A_349, %dma_wait3A_350] : memref<16x128x16xf32, #tpu.memory_space<vmem>> -> memref<1x128x16xf32, #tpu.memory_space<vmem>>
    %dma_wait3A_352 = tpu.memref_squeeze %dma_wait3A_351 : memref<1x128x16xf32, #tpu.memory_space<vmem>> -> memref<128x16xf32, #tpu.memory_space<vmem>>
    %dma_wait3A_353 = arith.constant 0 : i32
    %dma_wait3A_354 = tpu.memref_slice %arg6[%dma_wait3A_347, %dma_wait3A_353] : memref<16x128xi32, #tpu.memory_space<vmem>> -> memref<1x128xi32, #tpu.memory_space<vmem>>
    %dma_wait3A_355 = tpu.memref_squeeze %dma_wait3A_354 : memref<1x128xi32, #tpu.memory_space<vmem>> -> memref<128xi32, #tpu.memory_space<vmem>>
    %dma_wait3A_356 = arith.constant 0 : i32
    %dma_wait3A_357 = arith.constant 0 : i32
    %dma_wait3A_358 = tpu.memref_slice %arg4[%dma_wait3A_356, %dma_wait3A_357] : memref<4096x16xf32, #tpu.memory_space<hbm>> -> memref<4096x16xf32, #tpu.memory_space<hbm>>
    tpu.wait_indirect_dma semaphore(%arg9 : memref<!tpu.dma_semaphore, #tpu.memory_space<semaphore_mem>>) src(%dma_wait3A_358 : memref<4096x16xf32, #tpu.memory_space<hbm>>) dst(%dma_wait3A_352 : memref<128x16xf32, #tpu.memory_space<vmem>>)
    %dma_wait3A_359 = arith.constant 14 : i32
    %dma_wait3A_360 = arith.constant 14 : i32
    %dma_wait3A_361 = arith.constant 0 : i32
    %dma_wait3A_362 = arith.constant 0 : i32
    %dma_wait3A_363 = tpu.memref_slice %arg7[%dma_wait3A_360, %dma_wait3A_361, %dma_wait3A_362] : memref<16x128x16xf32, #tpu.memory_space<vmem>> -> memref<1x128x16xf32, #tpu.memory_space<vmem>>
    %dma_wait3A_364 = tpu.memref_squeeze %dma_wait3A_363 : memref<1x128x16xf32, #tpu.memory_space<vmem>> -> memref<128x16xf32, #tpu.memory_space<vmem>>
    %dma_wait3A_365 = arith.constant 0 : i32
    %dma_wait3A_366 = tpu.memref_slice %arg6[%dma_wait3A_359, %dma_wait3A_365] : memref<16x128xi32, #tpu.memory_space<vmem>> -> memref<1x128xi32, #tpu.memory_space<vmem>>
    %dma_wait3A_367 = tpu.memref_squeeze %dma_wait3A_366 : memref<1x128xi32, #tpu.memory_space<vmem>> -> memref<128xi32, #tpu.memory_space<vmem>>
    %dma_wait3A_368 = arith.constant 0 : i32
    %dma_wait3A_369 = arith.constant 0 : i32
    %dma_wait3A_370 = tpu.memref_slice %arg4[%dma_wait3A_368, %dma_wait3A_369] : memref<4096x16xf32, #tpu.memory_space<hbm>> -> memref<4096x16xf32, #tpu.memory_space<hbm>>
    tpu.wait_indirect_dma semaphore(%arg9 : memref<!tpu.dma_semaphore, #tpu.memory_space<semaphore_mem>>) src(%dma_wait3A_370 : memref<4096x16xf32, #tpu.memory_space<hbm>>) dst(%dma_wait3A_364 : memref<128x16xf32, #tpu.memory_space<vmem>>)
    %dma_wait3A_371 = arith.constant 15 : i32
    %dma_wait3A_372 = arith.constant 15 : i32
    %dma_wait3A_373 = arith.constant 0 : i32
    %dma_wait3A_374 = arith.constant 0 : i32
    %dma_wait3A_375 = tpu.memref_slice %arg7[%dma_wait3A_372, %dma_wait3A_373, %dma_wait3A_374] : memref<16x128x16xf32, #tpu.memory_space<vmem>> -> memref<1x128x16xf32, #tpu.memory_space<vmem>>
    %dma_wait3A_376 = tpu.memref_squeeze %dma_wait3A_375 : memref<1x128x16xf32, #tpu.memory_space<vmem>> -> memref<128x16xf32, #tpu.memory_space<vmem>>
    %dma_wait3A_377 = arith.constant 0 : i32
    %dma_wait3A_378 = tpu.memref_slice %arg6[%dma_wait3A_371, %dma_wait3A_377] : memref<16x128xi32, #tpu.memory_space<vmem>> -> memref<1x128xi32, #tpu.memory_space<vmem>>
    %dma_wait3A_379 = tpu.memref_squeeze %dma_wait3A_378 : memref<1x128xi32, #tpu.memory_space<vmem>> -> memref<128xi32, #tpu.memory_space<vmem>>
    %dma_wait3A_380 = arith.constant 0 : i32
    %dma_wait3A_381 = arith.constant 0 : i32
    %dma_wait3A_382 = tpu.memref_slice %arg4[%dma_wait3A_380, %dma_wait3A_381] : memref<4096x16xf32, #tpu.memory_space<hbm>> -> memref<4096x16xf32, #tpu.memory_space<hbm>>
    tpu.wait_indirect_dma semaphore(%arg9 : memref<!tpu.dma_semaphore, #tpu.memory_space<semaphore_mem>>) src(%dma_wait3A_382 : memref<4096x16xf32, #tpu.memory_space<hbm>>) dst(%dma_wait3A_376 : memref<128x16xf32, #tpu.memory_space<vmem>>)
    %scan3A = arith.constant 0 : i32
    %scan3A_383 = arith.constant 0 : i32
    %scan3A_384 = arith.constant 128 : i32
    %scan3A_385 = arith.addi %scan3A_383, %scan3A_384 : i32
    %scan3A_386 = arith.constant 1 : i32
    scf.for %scan3A_478 = %scan3A_383 to %scan3A_385 step %scan3A_386  : i32 {
      %get3A = arith.constant 0 : i32
      %get3A_479 = arith.index_cast %get3A : i32 to index
      %get3A_480 = arith.index_cast %scan3A_478 : i32 to index
      %get3A_481 = arith.constant 0 : index
      %get3A_482 = tpu.vector_load %arg8[%get3A_479, %get3A_480, %get3A_481] {strides = array<i32>} : memref<16x128x16xf32, #tpu.memory_space<vmem>>, vector<1x1x16xf32>,
      %get3A_483 = vector.shape_cast %get3A_482 : vector<1x1x16xf32> to vector<16xf32>
      %get3A_484 = arith.constant 0 : i32
      %get3A_485 = arith.index_cast %get3A_484 : i32 to index
      %get3A_486 = arith.index_cast %scan3A_478 : i32 to index
      %get3A_487 = arith.constant 0 : index
      %get3A_488 = tpu.vector_load %arg7[%get3A_485, %get3A_486, %get3A_487] {strides = array<i32>} : memref<16x128x16xf32, #tpu.memory_space<vmem>>, vector<1x1x16xf32>,
      %get3A_489 = vector.shape_cast %get3A_488 : vector<1x1x16xf32> to vector<16xf32>
      %mul3A_490 = arith.mulf %get3A_483, %get3A_489 : vector<16xf32>
      %swap3A = arith.constant 0 : i32
      %swap3A_491 = arith.index_cast %swap3A : i32 to index
      %swap3A_492 = arith.index_cast %scan3A_478 : i32 to index
      %swap3A_493 = arith.constant 0 : index
      %swap3A_494 = tpu.vector_load %arg8[%swap3A_491, %swap3A_492, %swap3A_493] {strides = array<i32>} : memref<16x128x16xf32, #tpu.memory_space<vmem>>, vector<1x1x16xf32>,
      %swap3A_495 = vector.shape_cast %swap3A_494 : vector<1x1x16xf32> to vector<16xf32>
      %swap3A_496 = vector.shape_cast %mul3A_490 : vector<16xf32> to vector<1x1x16xf32>
      tpu.vector_store %arg8[%swap3A_491, %swap3A_492, %swap3A_493], %swap3A_496 {strides = array<i32>} : memref<16x128x16xf32, #tpu.memory_space<vmem>>, vector<1x1x16xf32>,
    }
    %scan3A_387 = arith.constant 128 : i32
    %scan3A_388 = arith.constant 0 : i32
    %scan3A_389 = arith.constant 0 : i32
    %scan3A_390 = arith.constant 128 : i32
    %scan3A_391 = arith.addi %scan3A_389, %scan3A_390 : i32
    %scan3A_392 = arith.constant 1 : i32
    scf.for %scan3A_478 = %scan3A_389 to %scan3A_391 step %scan3A_392  : i32 {
      %get3A = arith.constant 1 : i32
      %get3A_479 = arith.index_cast %get3A : i32 to index
      %get3A_480 = arith.index_cast %scan3A_478 : i32 to index
      %get3A_481 = arith.constant 0 : index
      %get3A_482 = tpu.vector_load %arg8[%get3A_479, %get3A_480, %get3A_481] {strides = array<i32>} : memref<16x128x16xf32, #tpu.memory_space<vmem>>, vector<1x1x16xf32>,
      %get3A_483 = vector.shape_cast %get3A_482 : vector<1x1x16xf32> to vector<16xf32>
      %get3A_484 = arith.constant 1 : i32
      %get3A_485 = arith.index_cast %get3A_484 : i32 to index
      %get3A_486 = arith.index_cast %scan3A_478 : i32 to index
      %get3A_487 = arith.constant 0 : index
      %get3A_488 = tpu.vector_load %arg7[%get3A_485, %get3A_486, %get3A_487] {strides = array<i32>} : memref<16x128x16xf32, #tpu.memory_space<vmem>>, vector<1x1x16xf32>,
      %get3A_489 = vector.shape_cast %get3A_488 : vector<1x1x16xf32> to vector<16xf32>
      %mul3A_490 = arith.mulf %get3A_483, %get3A_489 : vector<16xf32>
      %swap3A = arith.constant 1 : i32
      %swap3A_491 = arith.index_cast %swap3A : i32 to index
      %swap3A_492 = arith.index_cast %scan3A_478 : i32 to index
      %swap3A_493 = arith.constant 0 : index
      %swap3A_494 = tpu.vector_load %arg8[%swap3A_491, %swap3A_492, %swap3A_493] {strides = array<i32>} : memref<16x128x16xf32, #tpu.memory_space<vmem>>, vector<1x1x16xf32>,
      %swap3A_495 = vector.shape_cast %swap3A_494 : vector<1x1x16xf32> to vector<16xf32>
      %swap3A_496 = vector.shape_cast %mul3A_490 : vector<16xf32> to vector<1x1x16xf32>
      tpu.vector_store %arg8[%swap3A_491, %swap3A_492, %swap3A_493], %swap3A_496 {strides = array<i32>} : memref<16x128x16xf32, #tpu.memory_space<vmem>>, vector<1x1x16xf32>,
    }
    %scan3A_393 = arith.constant 128 : i32
    %scan3A_394 = arith.constant 0 : i32
    %scan3A_395 = arith.constant 0 : i32
    %scan3A_396 = arith.constant 128 : i32
    %scan3A_397 = arith.addi %scan3A_395, %scan3A_396 : i32
    %scan3A_398 = arith.constant 1 : i32
    scf.for %scan3A_478 = %scan3A_395 to %scan3A_397 step %scan3A_398  : i32 {
      %get3A = arith.constant 2 : i32
      %get3A_479 = arith.index_cast %get3A : i32 to index
      %get3A_480 = arith.index_cast %scan3A_478 : i32 to index
      %get3A_481 = arith.constant 0 : index
      %get3A_482 = tpu.vector_load %arg8[%get3A_479, %get3A_480, %get3A_481] {strides = array<i32>} : memref<16x128x16xf32, #tpu.memory_space<vmem>>, vector<1x1x16xf32>,
      %get3A_483 = vector.shape_cast %get3A_482 : vector<1x1x16xf32> to vector<16xf32>
      %get3A_484 = arith.constant 2 : i32
      %get3A_485 = arith.index_cast %get3A_484 : i32 to index
      %get3A_486 = arith.index_cast %scan3A_478 : i32 to index
      %get3A_487 = arith.constant 0 : index
      %get3A_488 = tpu.vector_load %arg7[%get3A_485, %get3A_486, %get3A_487] {strides = array<i32>} : memref<16x128x16xf32, #tpu.memory_space<vmem>>, vector<1x1x16xf32>,
      %get3A_489 = vector.shape_cast %get3A_488 : vector<1x1x16xf32> to vector<16xf32>
      %mul3A_490 = arith.mulf %get3A_483, %get3A_489 : vector<16xf32>
      %swap3A = arith.constant 2 : i32
      %swap3A_491 = arith.index_cast %swap3A : i32 to index
      %swap3A_492 = arith.index_cast %scan3A_478 : i32 to index
      %swap3A_493 = arith.constant 0 : index
      %swap3A_494 = tpu.vector_load %arg8[%swap3A_491, %swap3A_492, %swap3A_493] {strides = array<i32>} : memref<16x128x16xf32, #tpu.memory_space<vmem>>, vector<1x1x16xf32>,
      %swap3A_495 = vector.shape_cast %swap3A_494 : vector<1x1x16xf32> to vector<16xf32>
      %swap3A_496 = vector.shape_cast %mul3A_490 : vector<16xf32> to vector<1x1x16xf32>
      tpu.vector_store %arg8[%swap3A_491, %swap3A_492, %swap3A_493], %swap3A_496 {strides = array<i32>} : memref<16x128x16xf32, #tpu.memory_space<vmem>>, vector<1x1x16xf32>,
    }
    %scan3A_399 = arith.constant 128 : i32
    %scan3A_400 = arith.constant 0 : i32
    %scan3A_401 = arith.constant 0 : i32
    %scan3A_402 = arith.constant 128 : i32
    %scan3A_403 = arith.addi %scan3A_401, %scan3A_402 : i32
    %scan3A_404 = arith.constant 1 : i32
    scf.for %scan3A_478 = %scan3A_401 to %scan3A_403 step %scan3A_404  : i32 {
      %get3A = arith.constant 3 : i32
      %get3A_479 = arith.index_cast %get3A : i32 to index
      %get3A_480 = arith.index_cast %scan3A_478 : i32 to index
      %get3A_481 = arith.constant 0 : index
      %get3A_482 = tpu.vector_load %arg8[%get3A_479, %get3A_480, %get3A_481] {strides = array<i32>} : memref<16x128x16xf32, #tpu.memory_space<vmem>>, vector<1x1x16xf32>,
      %get3A_483 = vector.shape_cast %get3A_482 : vector<1x1x16xf32> to vector<16xf32>
      %get3A_484 = arith.constant 3 : i32
      %get3A_485 = arith.index_cast %get3A_484 : i32 to index
      %get3A_486 = arith.index_cast %scan3A_478 : i32 to index
      %get3A_487 = arith.constant 0 : index
      %get3A_488 = tpu.vector_load %arg7[%get3A_485, %get3A_486, %get3A_487] {strides = array<i32>} : memref<16x128x16xf32, #tpu.memory_space<vmem>>, vector<1x1x16xf32>,
      %get3A_489 = vector.shape_cast %get3A_488 : vector<1x1x16xf32> to vector<16xf32>
      %mul3A_490 = arith.mulf %get3A_483, %get3A_489 : vector<16xf32>
      %swap3A = arith.constant 3 : i32
      %swap3A_491 = arith.index_cast %swap3A : i32 to index
      %swap3A_492 = arith.index_cast %scan3A_478 : i32 to index
      %swap3A_493 = arith.constant 0 : index
      %swap3A_494 = tpu.vector_load %arg8[%swap3A_491, %swap3A_492, %swap3A_493] {strides = array<i32>} : memref<16x128x16xf32, #tpu.memory_space<vmem>>, vector<1x1x16xf32>,
      %swap3A_495 = vector.shape_cast %swap3A_494 : vector<1x1x16xf32> to vector<16xf32>
      %swap3A_496 = vector.shape_cast %mul3A_490 : vector<16xf32> to vector<1x1x16xf32>
      tpu.vector_store %arg8[%swap3A_491, %swap3A_492, %swap3A_493], %swap3A_496 {strides = array<i32>} : memref<16x128x16xf32, #tpu.memory_space<vmem>>, vector<1x1x16xf32>,
    }
    %scan3A_405 = arith.constant 128 : i32
    %scan3A_406 = arith.constant 0 : i32
    %scan3A_407 = arith.constant 0 : i32
    %scan3A_408 = arith.constant 128 : i32
    %scan3A_409 = arith.addi %scan3A_407, %scan3A_408 : i32
    %scan3A_410 = arith.constant 1 : i32
    scf.for %scan3A_478 = %scan3A_407 to %scan3A_409 step %scan3A_410  : i32 {
      %get3A = arith.constant 4 : i32
      %get3A_479 = arith.index_cast %get3A : i32 to index
      %get3A_480 = arith.index_cast %scan3A_478 : i32 to index
      %get3A_481 = arith.constant 0 : index
      %get3A_482 = tpu.vector_load %arg8[%get3A_479, %get3A_480, %get3A_481] {strides = array<i32>} : memref<16x128x16xf32, #tpu.memory_space<vmem>>, vector<1x1x16xf32>,
      %get3A_483 = vector.shape_cast %get3A_482 : vector<1x1x16xf32> to vector<16xf32>
      %get3A_484 = arith.constant 4 : i32
      %get3A_485 = arith.index_cast %get3A_484 : i32 to index
      %get3A_486 = arith.index_cast %scan3A_478 : i32 to index
      %get3A_487 = arith.constant 0 : index
      %get3A_488 = tpu.vector_load %arg7[%get3A_485, %get3A_486, %get3A_487] {strides = array<i32>} : memref<16x128x16xf32, #tpu.memory_space<vmem>>, vector<1x1x16xf32>,
      %get3A_489 = vector.shape_cast %get3A_488 : vector<1x1x16xf32> to vector<16xf32>
      %mul3A_490 = arith.mulf %get3A_483, %get3A_489 : vector<16xf32>
      %swap3A = arith.constant 4 : i32
      %swap3A_491 = arith.index_cast %swap3A : i32 to index
      %swap3A_492 = arith.index_cast %scan3A_478 : i32 to index
      %swap3A_493 = arith.constant 0 : index
      %swap3A_494 = tpu.vector_load %arg8[%swap3A_491, %swap3A_492, %swap3A_493] {strides = array<i32>} : memref<16x128x16xf32, #tpu.memory_space<vmem>>, vector<1x1x16xf32>,
      %swap3A_495 = vector.shape_cast %swap3A_494 : vector<1x1x16xf32> to vector<16xf32>
      %swap3A_496 = vector.shape_cast %mul3A_490 : vector<16xf32> to vector<1x1x16xf32>
      tpu.vector_store %arg8[%swap3A_491, %swap3A_492, %swap3A_493], %swap3A_496 {strides = array<i32>} : memref<16x128x16xf32, #tpu.memory_space<vmem>>, vector<1x1x16xf32>,
    }
    %scan3A_411 = arith.constant 128 : i32
    %scan3A_412 = arith.constant 0 : i32
    %scan3A_413 = arith.constant 0 : i32
    %scan3A_414 = arith.constant 128 : i32
    %scan3A_415 = arith.addi %scan3A_413, %scan3A_414 : i32
    %scan3A_416 = arith.constant 1 : i32
    scf.for %scan3A_478 = %scan3A_413 to %scan3A_415 step %scan3A_416  : i32 {
      %get3A = arith.constant 5 : i32
      %get3A_479 = arith.index_cast %get3A : i32 to index
      %get3A_480 = arith.index_cast %scan3A_478 : i32 to index
      %get3A_481 = arith.constant 0 : index
      %get3A_482 = tpu.vector_load %arg8[%get3A_479, %get3A_480, %get3A_481] {strides = array<i32>} : memref<16x128x16xf32, #tpu.memory_space<vmem>>, vector<1x1x16xf32>,
      %get3A_483 = vector.shape_cast %get3A_482 : vector<1x1x16xf32> to vector<16xf32>
      %get3A_484 = arith.constant 5 : i32
      %get3A_485 = arith.index_cast %get3A_484 : i32 to index
      %get3A_486 = arith.index_cast %scan3A_478 : i32 to index
      %get3A_487 = arith.constant 0 : index
      %get3A_488 = tpu.vector_load %arg7[%get3A_485, %get3A_486, %get3A_487] {strides = array<i32>} : memref<16x128x16xf32, #tpu.memory_space<vmem>>, vector<1x1x16xf32>,
      %get3A_489 = vector.shape_cast %get3A_488 : vector<1x1x16xf32> to vector<16xf32>
      %mul3A_490 = arith.mulf %get3A_483, %get3A_489 : vector<16xf32>
      %swap3A = arith.constant 5 : i32
      %swap3A_491 = arith.index_cast %swap3A : i32 to index
      %swap3A_492 = arith.index_cast %scan3A_478 : i32 to index
      %swap3A_493 = arith.constant 0 : index
      %swap3A_494 = tpu.vector_load %arg8[%swap3A_491, %swap3A_492, %swap3A_493] {strides = array<i32>} : memref<16x128x16xf32, #tpu.memory_space<vmem>>, vector<1x1x16xf32>,
      %swap3A_495 = vector.shape_cast %swap3A_494 : vector<1x1x16xf32> to vector<16xf32>
      %swap3A_496 = vector.shape_cast %mul3A_490 : vector<16xf32> to vector<1x1x16xf32>
      tpu.vector_store %arg8[%swap3A_491, %swap3A_492, %swap3A_493], %swap3A_496 {strides = array<i32>} : memref<16x128x16xf32, #tpu.memory_space<vmem>>, vector<1x1x16xf32>,
    }
    %scan3A_417 = arith.constant 128 : i32
    %scan3A_418 = arith.constant 0 : i32
    %scan3A_419 = arith.constant 0 : i32
    %scan3A_420 = arith.constant 128 : i32
    %scan3A_421 = arith.addi %scan3A_419, %scan3A_420 : i32
    %scan3A_422 = arith.constant 1 : i32
    scf.for %scan3A_478 = %scan3A_419 to %scan3A_421 step %scan3A_422  : i32 {
      %get3A = arith.constant 6 : i32
      %get3A_479 = arith.index_cast %get3A : i32 to index
      %get3A_480 = arith.index_cast %scan3A_478 : i32 to index
      %get3A_481 = arith.constant 0 : index
      %get3A_482 = tpu.vector_load %arg8[%get3A_479, %get3A_480, %get3A_481] {strides = array<i32>} : memref<16x128x16xf32, #tpu.memory_space<vmem>>, vector<1x1x16xf32>,
      %get3A_483 = vector.shape_cast %get3A_482 : vector<1x1x16xf32> to vector<16xf32>
      %get3A_484 = arith.constant 6 : i32
      %get3A_485 = arith.index_cast %get3A_484 : i32 to index
      %get3A_486 = arith.index_cast %scan3A_478 : i32 to index
      %get3A_487 = arith.constant 0 : index
      %get3A_488 = tpu.vector_load %arg7[%get3A_485, %get3A_486, %get3A_487] {strides = array<i32>} : memref<16x128x16xf32, #tpu.memory_space<vmem>>, vector<1x1x16xf32>,
      %get3A_489 = vector.shape_cast %get3A_488 : vector<1x1x16xf32> to vector<16xf32>
      %mul3A_490 = arith.mulf %get3A_483, %get3A_489 : vector<16xf32>
      %swap3A = arith.constant 6 : i32
      %swap3A_491 = arith.index_cast %swap3A : i32 to index
      %swap3A_492 = arith.index_cast %scan3A_478 : i32 to index
      %swap3A_493 = arith.constant 0 : index
      %swap3A_494 = tpu.vector_load %arg8[%swap3A_491, %swap3A_492, %swap3A_493] {strides = array<i32>} : memref<16x128x16xf32, #tpu.memory_space<vmem>>, vector<1x1x16xf32>,
      %swap3A_495 = vector.shape_cast %swap3A_494 : vector<1x1x16xf32> to vector<16xf32>
      %swap3A_496 = vector.shape_cast %mul3A_490 : vector<16xf32> to vector<1x1x16xf32>
      tpu.vector_store %arg8[%swap3A_491, %swap3A_492, %swap3A_493], %swap3A_496 {strides = array<i32>} : memref<16x128x16xf32, #tpu.memory_space<vmem>>, vector<1x1x16xf32>,
    }
    %scan3A_423 = arith.constant 128 : i32
    %scan3A_424 = arith.constant 0 : i32
    %scan3A_425 = arith.constant 0 : i32
    %scan3A_426 = arith.constant 128 : i32
    %scan3A_427 = arith.addi %scan3A_425, %scan3A_426 : i32
    %scan3A_428 = arith.constant 1 : i32
    scf.for %scan3A_478 = %scan3A_425 to %scan3A_427 step %scan3A_428  : i32 {
      %get3A = arith.constant 7 : i32
      %get3A_479 = arith.index_cast %get3A : i32 to index
      %get3A_480 = arith.index_cast %scan3A_478 : i32 to index
      %get3A_481 = arith.constant 0 : index
      %get3A_482 = tpu.vector_load %arg8[%get3A_479, %get3A_480, %get3A_481] {strides = array<i32>} : memref<16x128x16xf32, #tpu.memory_space<vmem>>, vector<1x1x16xf32>,
      %get3A_483 = vector.shape_cast %get3A_482 : vector<1x1x16xf32> to vector<16xf32>
      %get3A_484 = arith.constant 7 : i32
      %get3A_485 = arith.index_cast %get3A_484 : i32 to index
      %get3A_486 = arith.index_cast %scan3A_478 : i32 to index
      %get3A_487 = arith.constant 0 : index
      %get3A_488 = tpu.vector_load %arg7[%get3A_485, %get3A_486, %get3A_487] {strides = array<i32>} : memref<16x128x16xf32, #tpu.memory_space<vmem>>, vector<1x1x16xf32>,
      %get3A_489 = vector.shape_cast %get3A_488 : vector<1x1x16xf32> to vector<16xf32>
      %mul3A_490 = arith.mulf %get3A_483, %get3A_489 : vector<16xf32>
      %swap3A = arith.constant 7 : i32
      %swap3A_491 = arith.index_cast %swap3A : i32 to index
      %swap3A_492 = arith.index_cast %scan3A_478 : i32 to index
      %swap3A_493 = arith.constant 0 : index
      %swap3A_494 = tpu.vector_load %arg8[%swap3A_491, %swap3A_492, %swap3A_493] {strides = array<i32>} : memref<16x128x16xf32, #tpu.memory_space<vmem>>, vector<1x1x16xf32>,
      %swap3A_495 = vector.shape_cast %swap3A_494 : vector<1x1x16xf32> to vector<16xf32>
      %swap3A_496 = vector.shape_cast %mul3A_490 : vector<16xf32> to vector<1x1x16xf32>
      tpu.vector_store %arg8[%swap3A_491, %swap3A_492, %swap3A_493], %swap3A_496 {strides = array<i32>} : memref<16x128x16xf32, #tpu.memory_space<vmem>>, vector<1x1x16xf32>,
    }
    %scan3A_429 = arith.constant 128 : i32
    %scan3A_430 = arith.constant 0 : i32
    %scan3A_431 = arith.constant 0 : i32
    %scan3A_432 = arith.constant 128 : i32
    %scan3A_433 = arith.addi %scan3A_431, %scan3A_432 : i32
    %scan3A_434 = arith.constant 1 : i32
    scf.for %scan3A_478 = %scan3A_431 to %scan3A_433 step %scan3A_434  : i32 {
      %get3A = arith.constant 8 : i32
      %get3A_479 = arith.index_cast %get3A : i32 to index
      %get3A_480 = arith.index_cast %scan3A_478 : i32 to index
      %get3A_481 = arith.constant 0 : index
      %get3A_482 = tpu.vector_load %arg8[%get3A_479, %get3A_480, %get3A_481] {strides = array<i32>} : memref<16x128x16xf32, #tpu.memory_space<vmem>>, vector<1x1x16xf32>,
      %get3A_483 = vector.shape_cast %get3A_482 : vector<1x1x16xf32> to vector<16xf32>
      %get3A_484 = arith.constant 8 : i32
      %get3A_485 = arith.index_cast %get3A_484 : i32 to index
      %get3A_486 = arith.index_cast %scan3A_478 : i32 to index
      %get3A_487 = arith.constant 0 : index
      %get3A_488 = tpu.vector_load %arg7[%get3A_485, %get3A_486, %get3A_487] {strides = array<i32>} : memref<16x128x16xf32, #tpu.memory_space<vmem>>, vector<1x1x16xf32>,
      %get3A_489 = vector.shape_cast %get3A_488 : vector<1x1x16xf32> to vector<16xf32>
      %mul3A_490 = arith.mulf %get3A_483, %get3A_489 : vector<16xf32>
      %swap3A = arith.constant 8 : i32
      %swap3A_491 = arith.index_cast %swap3A : i32 to index
      %swap3A_492 = arith.index_cast %scan3A_478 : i32 to index
      %swap3A_493 = arith.constant 0 : index
      %swap3A_494 = tpu.vector_load %arg8[%swap3A_491, %swap3A_492, %swap3A_493] {strides = array<i32>} : memref<16x128x16xf32, #tpu.memory_space<vmem>>, vector<1x1x16xf32>,
      %swap3A_495 = vector.shape_cast %swap3A_494 : vector<1x1x16xf32> to vector<16xf32>
      %swap3A_496 = vector.shape_cast %mul3A_490 : vector<16xf32> to vector<1x1x16xf32>
      tpu.vector_store %arg8[%swap3A_491, %swap3A_492, %swap3A_493], %swap3A_496 {strides = array<i32>} : memref<16x128x16xf32, #tpu.memory_space<vmem>>, vector<1x1x16xf32>,
    }
    %scan3A_435 = arith.constant 128 : i32
    %scan3A_436 = arith.constant 0 : i32
    %scan3A_437 = arith.constant 0 : i32
    %scan3A_438 = arith.constant 128 : i32
    %scan3A_439 = arith.addi %scan3A_437, %scan3A_438 : i32
    %scan3A_440 = arith.constant 1 : i32
    scf.for %scan3A_478 = %scan3A_437 to %scan3A_439 step %scan3A_440  : i32 {
      %get3A = arith.constant 9 : i32
      %get3A_479 = arith.index_cast %get3A : i32 to index
      %get3A_480 = arith.index_cast %scan3A_478 : i32 to index
      %get3A_481 = arith.constant 0 : index
      %get3A_482 = tpu.vector_load %arg8[%get3A_479, %get3A_480, %get3A_481] {strides = array<i32>} : memref<16x128x16xf32, #tpu.memory_space<vmem>>, vector<1x1x16xf32>,
      %get3A_483 = vector.shape_cast %get3A_482 : vector<1x1x16xf32> to vector<16xf32>
      %get3A_484 = arith.constant 9 : i32
      %get3A_485 = arith.index_cast %get3A_484 : i32 to index
      %get3A_486 = arith.index_cast %scan3A_478 : i32 to index
      %get3A_487 = arith.constant 0 : index
      %get3A_488 = tpu.vector_load %arg7[%get3A_485, %get3A_486, %get3A_487] {strides = array<i32>} : memref<16x128x16xf32, #tpu.memory_space<vmem>>, vector<1x1x16xf32>,
      %get3A_489 = vector.shape_cast %get3A_488 : vector<1x1x16xf32> to vector<16xf32>
      %mul3A_490 = arith.mulf %get3A_483, %get3A_489 : vector<16xf32>
      %swap3A = arith.constant 9 : i32
      %swap3A_491 = arith.index_cast %swap3A : i32 to index
      %swap3A_492 = arith.index_cast %scan3A_478 : i32 to index
      %swap3A_493 = arith.constant 0 : index
      %swap3A_494 = tpu.vector_load %arg8[%swap3A_491, %swap3A_492, %swap3A_493] {strides = array<i32>} : memref<16x128x16xf32, #tpu.memory_space<vmem>>, vector<1x1x16xf32>,
      %swap3A_495 = vector.shape_cast %swap3A_494 : vector<1x1x16xf32> to vector<16xf32>
      %swap3A_496 = vector.shape_cast %mul3A_490 : vector<16xf32> to vector<1x1x16xf32>
      tpu.vector_store %arg8[%swap3A_491, %swap3A_492, %swap3A_493], %swap3A_496 {strides = array<i32>} : memref<16x128x16xf32, #tpu.memory_space<vmem>>, vector<1x1x16xf32>,
    }
    %scan3A_441 = arith.constant 128 : i32
    %scan3A_442 = arith.constant 0 : i32
    %scan3A_443 = arith.constant 0 : i32
    %scan3A_444 = arith.constant 128 : i32
    %scan3A_445 = arith.addi %scan3A_443, %scan3A_444 : i32
    %scan3A_446 = arith.constant 1 : i32
    scf.for %scan3A_478 = %scan3A_443 to %scan3A_445 step %scan3A_446  : i32 {
      %get3A = arith.constant 10 : i32
      %get3A_479 = arith.index_cast %get3A : i32 to index
      %get3A_480 = arith.index_cast %scan3A_478 : i32 to index
      %get3A_481 = arith.constant 0 : index
      %get3A_482 = tpu.vector_load %arg8[%get3A_479, %get3A_480, %get3A_481] {strides = array<i32>} : memref<16x128x16xf32, #tpu.memory_space<vmem>>, vector<1x1x16xf32>,
      %get3A_483 = vector.shape_cast %get3A_482 : vector<1x1x16xf32> to vector<16xf32>
      %get3A_484 = arith.constant 10 : i32
      %get3A_485 = arith.index_cast %get3A_484 : i32 to index
      %get3A_486 = arith.index_cast %scan3A_478 : i32 to index
      %get3A_487 = arith.constant 0 : index
      %get3A_488 = tpu.vector_load %arg7[%get3A_485, %get3A_486, %get3A_487] {strides = array<i32>} : memref<16x128x16xf32, #tpu.memory_space<vmem>>, vector<1x1x16xf32>,
      %get3A_489 = vector.shape_cast %get3A_488 : vector<1x1x16xf32> to vector<16xf32>
      %mul3A_490 = arith.mulf %get3A_483, %get3A_489 : vector<16xf32>
      %swap3A = arith.constant 10 : i32
      %swap3A_491 = arith.index_cast %swap3A : i32 to index
      %swap3A_492 = arith.index_cast %scan3A_478 : i32 to index
      %swap3A_493 = arith.constant 0 : index
      %swap3A_494 = tpu.vector_load %arg8[%swap3A_491, %swap3A_492, %swap3A_493] {strides = array<i32>} : memref<16x128x16xf32, #tpu.memory_space<vmem>>, vector<1x1x16xf32>,
      %swap3A_495 = vector.shape_cast %swap3A_494 : vector<1x1x16xf32> to vector<16xf32>
      %swap3A_496 = vector.shape_cast %mul3A_490 : vector<16xf32> to vector<1x1x16xf32>
      tpu.vector_store %arg8[%swap3A_491, %swap3A_492, %swap3A_493], %swap3A_496 {strides = array<i32>} : memref<16x128x16xf32, #tpu.memory_space<vmem>>, vector<1x1x16xf32>,
    }
    %scan3A_447 = arith.constant 128 : i32
    %scan3A_448 = arith.constant 0 : i32
    %scan3A_449 = arith.constant 0 : i32
    %scan3A_450 = arith.constant 128 : i32
    %scan3A_451 = arith.addi %scan3A_449, %scan3A_450 : i32
    %scan3A_452 = arith.constant 1 : i32
    scf.for %scan3A_478 = %scan3A_449 to %scan3A_451 step %scan3A_452  : i32 {
      %get3A = arith.constant 11 : i32
      %get3A_479 = arith.index_cast %get3A : i32 to index
      %get3A_480 = arith.index_cast %scan3A_478 : i32 to index
      %get3A_481 = arith.constant 0 : index
      %get3A_482 = tpu.vector_load %arg8[%get3A_479, %get3A_480, %get3A_481] {strides = array<i32>} : memref<16x128x16xf32, #tpu.memory_space<vmem>>, vector<1x1x16xf32>,
      %get3A_483 = vector.shape_cast %get3A_482 : vector<1x1x16xf32> to vector<16xf32>
      %get3A_484 = arith.constant 11 : i32
      %get3A_485 = arith.index_cast %get3A_484 : i32 to index
      %get3A_486 = arith.index_cast %scan3A_478 : i32 to index
      %get3A_487 = arith.constant 0 : index
      %get3A_488 = tpu.vector_load %arg7[%get3A_485, %get3A_486, %get3A_487] {strides = array<i32>} : memref<16x128x16xf32, #tpu.memory_space<vmem>>, vector<1x1x16xf32>,
      %get3A_489 = vector.shape_cast %get3A_488 : vector<1x1x16xf32> to vector<16xf32>
      %mul3A_490 = arith.mulf %get3A_483, %get3A_489 : vector<16xf32>
      %swap3A = arith.constant 11 : i32
      %swap3A_491 = arith.index_cast %swap3A : i32 to index
      %swap3A_492 = arith.index_cast %scan3A_478 : i32 to index
      %swap3A_493 = arith.constant 0 : index
      %swap3A_494 = tpu.vector_load %arg8[%swap3A_491, %swap3A_492, %swap3A_493] {strides = array<i32>} : memref<16x128x16xf32, #tpu.memory_space<vmem>>, vector<1x1x16xf32>,
      %swap3A_495 = vector.shape_cast %swap3A_494 : vector<1x1x16xf32> to vector<16xf32>
      %swap3A_496 = vector.shape_cast %mul3A_490 : vector<16xf32> to vector<1x1x16xf32>
      tpu.vector_store %arg8[%swap3A_491, %swap3A_492, %swap3A_493], %swap3A_496 {strides = array<i32>} : memref<16x128x16xf32, #tpu.memory_space<vmem>>, vector<1x1x16xf32>,
    }
    %scan3A_453 = arith.constant 128 : i32
    %scan3A_454 = arith.constant 0 : i32
    %scan3A_455 = arith.constant 0 : i32
    %scan3A_456 = arith.constant 128 : i32
    %scan3A_457 = arith.addi %scan3A_455, %scan3A_456 : i32
    %scan3A_458 = arith.constant 1 : i32
    scf.for %scan3A_478 = %scan3A_455 to %scan3A_457 step %scan3A_458  : i32 {
      %get3A = arith.constant 12 : i32
      %get3A_479 = arith.index_cast %get3A : i32 to index
      %get3A_480 = arith.index_cast %scan3A_478 : i32 to index
      %get3A_481 = arith.constant 0 : index
      %get3A_482 = tpu.vector_load %arg8[%get3A_479, %get3A_480, %get3A_481] {strides = array<i32>} : memref<16x128x16xf32, #tpu.memory_space<vmem>>, vector<1x1x16xf32>,
      %get3A_483 = vector.shape_cast %get3A_482 : vector<1x1x16xf32> to vector<16xf32>
      %get3A_484 = arith.constant 12 : i32
      %get3A_485 = arith.index_cast %get3A_484 : i32 to index
      %get3A_486 = arith.index_cast %scan3A_478 : i32 to index
      %get3A_487 = arith.constant 0 : index
      %get3A_488 = tpu.vector_load %arg7[%get3A_485, %get3A_486, %get3A_487] {strides = array<i32>} : memref<16x128x16xf32, #tpu.memory_space<vmem>>, vector<1x1x16xf32>,
      %get3A_489 = vector.shape_cast %get3A_488 : vector<1x1x16xf32> to vector<16xf32>
      %mul3A_490 = arith.mulf %get3A_483, %get3A_489 : vector<16xf32>
      %swap3A = arith.constant 12 : i32
      %swap3A_491 = arith.index_cast %swap3A : i32 to index
      %swap3A_492 = arith.index_cast %scan3A_478 : i32 to index
      %swap3A_493 = arith.constant 0 : index
      %swap3A_494 = tpu.vector_load %arg8[%swap3A_491, %swap3A_492, %swap3A_493] {strides = array<i32>} : memref<16x128x16xf32, #tpu.memory_space<vmem>>, vector<1x1x16xf32>,
      %swap3A_495 = vector.shape_cast %swap3A_494 : vector<1x1x16xf32> to vector<16xf32>
      %swap3A_496 = vector.shape_cast %mul3A_490 : vector<16xf32> to vector<1x1x16xf32>
      tpu.vector_store %arg8[%swap3A_491, %swap3A_492, %swap3A_493], %swap3A_496 {strides = array<i32>} : memref<16x128x16xf32, #tpu.memory_space<vmem>>, vector<1x1x16xf32>,
    }
    %scan3A_459 = arith.constant 128 : i32
    %scan3A_460 = arith.constant 0 : i32
    %scan3A_461 = arith.constant 0 : i32
    %scan3A_462 = arith.constant 128 : i32
    %scan3A_463 = arith.addi %scan3A_461, %scan3A_462 : i32
    %scan3A_464 = arith.constant 1 : i32
    scf.for %scan3A_478 = %scan3A_461 to %scan3A_463 step %scan3A_464  : i32 {
      %get3A = arith.constant 13 : i32
      %get3A_479 = arith.index_cast %get3A : i32 to index
      %get3A_480 = arith.index_cast %scan3A_478 : i32 to index
      %get3A_481 = arith.constant 0 : index
      %get3A_482 = tpu.vector_load %arg8[%get3A_479, %get3A_480, %get3A_481] {strides = array<i32>} : memref<16x128x16xf32, #tpu.memory_space<vmem>>, vector<1x1x16xf32>,
      %get3A_483 = vector.shape_cast %get3A_482 : vector<1x1x16xf32> to vector<16xf32>
      %get3A_484 = arith.constant 13 : i32
      %get3A_485 = arith.index_cast %get3A_484 : i32 to index
      %get3A_486 = arith.index_cast %scan3A_478 : i32 to index
      %get3A_487 = arith.constant 0 : index
      %get3A_488 = tpu.vector_load %arg7[%get3A_485, %get3A_486, %get3A_487] {strides = array<i32>} : memref<16x128x16xf32, #tpu.memory_space<vmem>>, vector<1x1x16xf32>,
      %get3A_489 = vector.shape_cast %get3A_488 : vector<1x1x16xf32> to vector<16xf32>
      %mul3A_490 = arith.mulf %get3A_483, %get3A_489 : vector<16xf32>
      %swap3A = arith.constant 13 : i32
      %swap3A_491 = arith.index_cast %swap3A : i32 to index
      %swap3A_492 = arith.index_cast %scan3A_478 : i32 to index
      %swap3A_493 = arith.constant 0 : index
      %swap3A_494 = tpu.vector_load %arg8[%swap3A_491, %swap3A_492, %swap3A_493] {strides = array<i32>} : memref<16x128x16xf32, #tpu.memory_space<vmem>>, vector<1x1x16xf32>,
      %swap3A_495 = vector.shape_cast %swap3A_494 : vector<1x1x16xf32> to vector<16xf32>
      %swap3A_496 = vector.shape_cast %mul3A_490 : vector<16xf32> to vector<1x1x16xf32>
      tpu.vector_store %arg8[%swap3A_491, %swap3A_492, %swap3A_493], %swap3A_496 {strides = array<i32>} : memref<16x128x16xf32, #tpu.memory_space<vmem>>, vector<1x1x16xf32>,
    }
    %scan3A_465 = arith.constant 128 : i32
    %scan3A_466 = arith.constant 0 : i32
    %scan3A_467 = arith.constant 0 : i32
    %scan3A_468 = arith.constant 128 : i32
    %scan3A_469 = arith.addi %scan3A_467, %scan3A_468 : i32
    %scan3A_470 = arith.constant 1 : i32
    scf.for %scan3A_478 = %scan3A_467 to %scan3A_469 step %scan3A_470  : i32 {
      %get3A = arith.constant 14 : i32
      %get3A_479 = arith.index_cast %get3A : i32 to index
      %get3A_480 = arith.index_cast %scan3A_478 : i32 to index
      %get3A_481 = arith.constant 0 : index
      %get3A_482 = tpu.vector_load %arg8[%get3A_479, %get3A_480, %get3A_481] {strides = array<i32>} : memref<16x128x16xf32, #tpu.memory_space<vmem>>, vector<1x1x16xf32>,
      %get3A_483 = vector.shape_cast %get3A_482 : vector<1x1x16xf32> to vector<16xf32>
      %get3A_484 = arith.constant 14 : i32
      %get3A_485 = arith.index_cast %get3A_484 : i32 to index
      %get3A_486 = arith.index_cast %scan3A_478 : i32 to index
      %get3A_487 = arith.constant 0 : index
      %get3A_488 = tpu.vector_load %arg7[%get3A_485, %get3A_486, %get3A_487] {strides = array<i32>} : memref<16x128x16xf32, #tpu.memory_space<vmem>>, vector<1x1x16xf32>,
      %get3A_489 = vector.shape_cast %get3A_488 : vector<1x1x16xf32> to vector<16xf32>
      %mul3A_490 = arith.mulf %get3A_483, %get3A_489 : vector<16xf32>
      %swap3A = arith.constant 14 : i32
      %swap3A_491 = arith.index_cast %swap3A : i32 to index
      %swap3A_492 = arith.index_cast %scan3A_478 : i32 to index
      %swap3A_493 = arith.constant 0 : index
      %swap3A_494 = tpu.vector_load %arg8[%swap3A_491, %swap3A_492, %swap3A_493] {strides = array<i32>} : memref<16x128x16xf32, #tpu.memory_space<vmem>>, vector<1x1x16xf32>,
      %swap3A_495 = vector.shape_cast %swap3A_494 : vector<1x1x16xf32> to vector<16xf32>
      %swap3A_496 = vector.shape_cast %mul3A_490 : vector<16xf32> to vector<1x1x16xf32>
      tpu.vector_store %arg8[%swap3A_491, %swap3A_492, %swap3A_493], %swap3A_496 {strides = array<i32>} : memref<16x128x16xf32, #tpu.memory_space<vmem>>, vector<1x1x16xf32>,
    }
    %scan3A_471 = arith.constant 128 : i32
    %scan3A_472 = arith.constant 0 : i32
    %scan3A_473 = arith.constant 0 : i32
    %scan3A_474 = arith.constant 128 : i32
    %scan3A_475 = arith.addi %scan3A_473, %scan3A_474 : i32
    %scan3A_476 = arith.constant 1 : i32
    scf.for %scan3A_478 = %scan3A_473 to %scan3A_475 step %scan3A_476  : i32 {
      %get3A = arith.constant 15 : i32
      %get3A_479 = arith.index_cast %get3A : i32 to index
      %get3A_480 = arith.index_cast %scan3A_478 : i32 to index
      %get3A_481 = arith.constant 0 : index
      %get3A_482 = tpu.vector_load %arg8[%get3A_479, %get3A_480, %get3A_481] {strides = array<i32>} : memref<16x128x16xf32, #tpu.memory_space<vmem>>, vector<1x1x16xf32>,
      %get3A_483 = vector.shape_cast %get3A_482 : vector<1x1x16xf32> to vector<16xf32>
      %get3A_484 = arith.constant 15 : i32
      %get3A_485 = arith.index_cast %get3A_484 : i32 to index
      %get3A_486 = arith.index_cast %scan3A_478 : i32 to index
      %get3A_487 = arith.constant 0 : index
      %get3A_488 = tpu.vector_load %arg7[%get3A_485, %get3A_486, %get3A_487] {strides = array<i32>} : memref<16x128x16xf32, #tpu.memory_space<vmem>>, vector<1x1x16xf32>,
      %get3A_489 = vector.shape_cast %get3A_488 : vector<1x1x16xf32> to vector<16xf32>
      %mul3A_490 = arith.mulf %get3A_483, %get3A_489 : vector<16xf32>
      %swap3A = arith.constant 15 : i32
      %swap3A_491 = arith.index_cast %swap3A : i32 to index
      %swap3A_492 = arith.index_cast %scan3A_478 : i32 to index
      %swap3A_493 = arith.constant 0 : index
      %swap3A_494 = tpu.vector_load %arg8[%swap3A_491, %swap3A_492, %swap3A_493] {strides = array<i32>} : memref<16x128x16xf32, #tpu.memory_space<vmem>>, vector<1x1x16xf32>,
      %swap3A_495 = vector.shape_cast %swap3A_494 : vector<1x1x16xf32> to vector<16xf32>
      %swap3A_496 = vector.shape_cast %mul3A_490 : vector<16xf32> to vector<1x1x16xf32>
      tpu.vector_store %arg8[%swap3A_491, %swap3A_492, %swap3A_493], %swap3A_496 {strides = array<i32>} : memref<16x128x16xf32, #tpu.memory_space<vmem>>, vector<1x1x16xf32>,
    }
    %scan3A_477 = arith.constant 128 : i32
    "tpu.region"() ({
      %run_scoped3A = tpu.sem_alloc : memref<!tpu.dma_semaphore, #tpu.memory_space<semaphore_mem>>
      %dma_start3A_478 = arith.constant 0 : i32
      %dma_start3A_479 = arith.constant 0 : i32
      %dma_start3A_480 = arith.constant 0 : i32
      %dma_start3A_481 = tpu.memref_slice %arg5[%add3A, %dma_start3A_478, %dma_start3A_479, %dma_start3A_480] : memref<32x16x128x16xf32, #tpu.memory_space<hbm>> -> memref<1x16x128x16xf32, #tpu.memory_space<hbm>>
      %dma_start3A_482 = tpu.memref_squeeze %dma_start3A_481 : memref<1x16x128x16xf32, #tpu.memory_space<hbm>> -> memref<16x128x16xf32, #tpu.memory_space<hbm>>
      %dma_start3A_483 = arith.constant 0 : i32
      %dma_start3A_484 = arith.constant 0 : i32
      %dma_start3A_485 = arith.constant 0 : i32
      %dma_start3A_486 = tpu.memref_slice %arg5[%add3A, %dma_start3A_483, %dma_start3A_484, %dma_start3A_485] : memref<32x16x128x16xf32, #tpu.memory_space<hbm>> -> memref<1x16x128x16xf32, #tpu.memory_space<hbm>>
      %dma_start3A_487 = tpu.memref_squeeze %dma_start3A_486 : memref<1x16x128x16xf32, #tpu.memory_space<hbm>> -> memref<16x128x16xf32, #tpu.memory_space<hbm>>
      tpu.enqueue_dma source(%arg8 : memref<16x128x16xf32, #tpu.memory_space<vmem>>) target(%dma_start3A_487 : memref<16x128x16xf32, #tpu.memory_space<hbm>>) target_semaphore(%run_scoped3A : memref<!tpu.dma_semaphore, #tpu.memory_space<semaphore_mem>>)
      %dma_wait3A_488 = arith.constant 0 : i32
      %dma_wait3A_489 = arith.constant 0 : i32
      %dma_wait3A_490 = arith.constant 0 : i32
      %dma_wait3A_491 = tpu.memref_slice %arg5[%add3A, %dma_wait3A_488, %dma_wait3A_489, %dma_wait3A_490] : memref<32x16x128x16xf32, #tpu.memory_space<hbm>> -> memref<1x16x128x16xf32, #tpu.memory_space<hbm>>
      %dma_wait3A_492 = tpu.memref_squeeze %dma_wait3A_491 : memref<1x16x128x16xf32, #tpu.memory_space<hbm>> -> memref<16x128x16xf32, #tpu.memory_space<hbm>>
      %dma_wait3A_493 = arith.constant 0 : i32
      %dma_wait3A_494 = arith.constant 0 : i32
      %dma_wait3A_495 = arith.constant 0 : i32
      %dma_wait3A_496 = tpu.memref_slice %arg5[%add3A, %dma_wait3A_493, %dma_wait3A_494, %dma_wait3A_495] : memref<32x16x128x16xf32, #tpu.memory_space<hbm>> -> memref<1x16x128x16xf32, #tpu.memory_space<hbm>>
      %dma_wait3A_497 = tpu.memref_squeeze %dma_wait3A_496 : memref<1x16x128x16xf32, #tpu.memory_space<hbm>> -> memref<16x128x16xf32, #tpu.memory_space<hbm>>
      tpu.wait_dma2 semaphore(%run_scoped3A : memref<!tpu.dma_semaphore, #tpu.memory_space<semaphore_mem>>) src(%arg8 : memref<16x128x16xf32, #tpu.memory_space<vmem>>) dst(%dma_wait3A_497 : memref<16x128x16xf32, #tpu.memory_space<hbm>>)
      tpu.yield
    }) : () -> ()
    return
  }
}

module attributes {stable_mosaic.version = 14 : i64} {
  func.func @_tc_body(%arg0: i32, %arg1: memref<1x4096x512xf32, #tpu.memory_space<vmem>>, %arg2: memref<1x4096x1xi32, #tpu.memory_space<vmem>>, %arg3: memref<1x1x4096xi32, #tpu.memory_space<vmem>>, %arg4: memref<512x128xbf16, #tpu.memory_space<vmem>>, %arg5: memref<1x4096x16xf32, #tpu.memory_space<vmem>>, %arg6: memref<1x256x16xf32, #tpu.memory_space<vmem>>) attributes {dimension_semantics = [#tpu.dimension_semantics<arbitrary>], iteration_bounds = array<i64: 16>, scalar_prefetch = 0 : i64, scratch_operands = 0 : i64, tpu.core_type = #tpu.core_type<tc>, window_params = [{transform_indices = @transform_0, window_bounds = array<i64: 1, 4096, 512>}, {transform_indices = @transform_1, window_bounds = array<i64: 1, 4096, 1>}, {transform_indices = @transform_2, window_bounds = array<i64: 1, 1, 4096>}, {pipeline_mode = #tpu.pipeline_mode<synchronous>, transform_indices = @transform_3, window_bounds = array<i64: 512, 128>}, {transform_indices = @transform_4, window_bounds = array<i64: 1, 4096, 16>}, {transform_indices = @transform_5, window_bounds = array<i64: 1, 256, 16>}]} {
    %get3A = arith.constant 0 : index
    %get3A_0 = arith.constant 0 : index
    %get3A_1 = arith.constant 0 : index
    %get3A_2 = vector.load %arg1[%get3A, %get3A_0, %get3A_1] : memref<1x4096x512xf32, #tpu.memory_space<vmem>>, vector<1x4096x512xf32>
    %get3A_3 = vector.shape_cast %get3A_2 : vector<1x4096x512xf32> to vector<4096x512xf32>
    %get3A_4 = arith.constant 0 : index
    %get3A_5 = arith.constant 0 : index
    %get3A_6 = arith.constant 0 : index
    %get3A_7 = vector.load %arg2[%get3A_4, %get3A_5, %get3A_6] : memref<1x4096x1xi32, #tpu.memory_space<vmem>>, vector<1x4096x1xi32>
    %get3A_8 = vector.shape_cast %get3A_7 : vector<1x4096x1xi32> to vector<4096x1xi32>
    %get3A_9 = arith.constant 0 : index
    %get3A_10 = arith.constant 0 : index
    %get3A_11 = arith.constant 0 : index
    %get3A_12 = vector.load %arg3[%get3A_9, %get3A_10, %get3A_11] : memref<1x1x4096xi32, #tpu.memory_space<vmem>>, vector<1x1x4096xi32>
    %get3A_13 = vector.shape_cast %get3A_12 : vector<1x1x4096xi32> to vector<1x4096xi32>
    %get3A_14 = arith.constant 0 : index
    %get3A_15 = arith.constant 0 : index
    %get3A_16 = vector.load %arg4[%get3A_14, %get3A_15] : memref<512x128xbf16, #tpu.memory_space<vmem>>, vector<512x128xbf16>
    %convert_element_type3A = arith.truncf %get3A_3 : vector<4096x512xf32> to vector<4096x512xbf16>
    %dot_general3A = arith.constant dense<0.000000e+00> : vector<4096x128xf32>
    %dot_general3A_17 = tpu.matmul %convert_element_type3A, %get3A_16, %dot_general3A {dimension_numbers = #tpu.dot_dimension_numbers<[1], [0], [0], [1], [0, 0, 1, 1], [], []>, transpose_lhs_hint = false} : vector<4096x512xbf16>, vector<512x128xbf16>, vector<4096x128xf32> -> vector<4096x128xf32>
    %iota3A = tpu.iota {dimensions = array<i32: 1>} : vector<4096x128xi32>
    %jit3A = arith.constant 16 : i32
    %div3A = vector.broadcast %jit3A : i32 to vector<4096x128xi32>
    %div3A_18 = arith.divsi %iota3A, %div3A : vector<4096x128xi32>
    %sign3A = arith.constant 0 : i32
    %sign3A_19 = vector.broadcast %sign3A : i32 to vector<4096x128xi32>
    %sign3A_20 = arith.cmpi sgt, %iota3A, %sign3A_19 : vector<4096x128xi32>
    %sign3A_21 = arith.extui %sign3A_20 : vector<4096x128xi1> to vector<4096x128xi32>
    %sign3A_22 = arith.constant 0 : i32
    %sign3A_23 = vector.broadcast %sign3A_22 : i32 to vector<4096x128xi32>
    %sign3A_24 = arith.cmpi slt, %iota3A, %sign3A_23 : vector<4096x128xi32>
    %sign3A_25 = arith.extui %sign3A_24 : vector<4096x128xi1> to vector<4096x128xi32>
    %sign3A_26 = arith.subi %sign3A_21, %sign3A_25 : vector<4096x128xi32>
    %sign3A_27 = arith.constant 0 : i32
    %sign3A_28 = arith.cmpi sgt, %jit3A, %sign3A_27 : i32
    %sign3A_29 = arith.extui %sign3A_28 : i1 to i32
    %sign3A_30 = arith.constant 0 : i32
    %sign3A_31 = arith.cmpi slt, %jit3A, %sign3A_30 : i32
    %sign3A_32 = arith.extui %sign3A_31 : i1 to i32
    %sign3A_33 = arith.subi %sign3A_29, %sign3A_32 : i32
    %ne3A = vector.broadcast %sign3A_33 : i32 to vector<4096x128xi32>
    %ne3A_34 = arith.cmpi ne, %sign3A_26, %ne3A : vector<4096x128xi32>
    %rem3A = vector.broadcast %jit3A : i32 to vector<4096x128xi32>
    %rem3A_35 = arith.remsi %iota3A, %rem3A : vector<4096x128xi32>
    %ne3A_36 = arith.constant 0 : i32
    %ne3A_37 = vector.broadcast %ne3A_36 : i32 to vector<4096x128xi32>
    %ne3A_38 = arith.cmpi ne, %rem3A_35, %ne3A_37 : vector<4096x128xi32>
    %and3A = arith.andi %ne3A_34, %ne3A_38 : vector<4096x128xi1>
    %sub3A = arith.constant 1 : i32
    %sub3A_39 = vector.broadcast %sub3A : i32 to vector<4096x128xi32>
    %sub3A_40 = arith.subi %div3A_18, %sub3A_39 : vector<4096x128xi32>
    %select_n3A = arith.select %and3A, %sub3A_40, %div3A_18 : vector<4096x128xi1>, vector<4096x128xi32>
    %eq3A = vector.broadcast %get3A_8 : vector<4096x1xi32> to vector<4096x128xi32>
    %eq3A_41 = arith.cmpi eq, %select_n3A, %eq3A : vector<4096x128xi32>
    %jit3A_42 = arith.constant 0.000000e+00 : f32
    %broadcast_in_dim3A = vector.broadcast %jit3A_42 : f32 to vector<4096x128xf32>
    %select_n3A_43 = arith.select %eq3A_41, %dot_general3A_17, %broadcast_in_dim3A : vector<4096x128xi1>, vector<4096x128xf32>
    %iota3A_44 = tpu.iota {dimensions = array<i32: 0>} : vector<128x16xi32>
    %jit3A_45 = arith.constant 16 : i32
    %eq3A_46 = arith.constant 0 : i32
    %eq3A_47 = arith.cmpi eq, %jit3A_45, %eq3A_46 : i32
    %jit3A_48 = arith.constant 1 : i32
    %select_n3A_49 = arith.select %eq3A_47, %jit3A_48, %jit3A_45 : i32
    %rem3A_50 = vector.broadcast %select_n3A_49 : i32 to vector<128x16xi32>
    %rem3A_51 = arith.remsi %iota3A_44, %rem3A_50 : vector<128x16xi32>
    %ne3A_52 = arith.constant 0 : i32
    %ne3A_53 = vector.broadcast %ne3A_52 : i32 to vector<128x16xi32>
    %ne3A_54 = arith.cmpi ne, %rem3A_51, %ne3A_53 : vector<128x16xi32>
    %lt3A = arith.constant 0 : i32
    %lt3A_55 = vector.broadcast %lt3A : i32 to vector<128x16xi32>
    %lt3A_56 = arith.cmpi slt, %rem3A_51, %lt3A_55 : vector<128x16xi32>
    %lt3A_57 = arith.constant 0 : i32
    %lt3A_58 = arith.cmpi slt, %select_n3A_49, %lt3A_57 : i32
    %ne3A_59 = vector.broadcast %lt3A_58 : i1 to vector<128x16xi1>
    %ne3A_60 = vector.broadcast %ne3A_59 : vector<128x16xi1> to vector<128x16xi1>
    %ne3A_61 = arith.xori %lt3A_56, %ne3A_60 : vector<128x16xi1>
    %and3A_62 = arith.andi %ne3A_61, %ne3A_54 : vector<128x16xi1>
    %add3A = vector.broadcast %select_n3A_49 : i32 to vector<128x16xi32>
    %add3A_63 = arith.addi %rem3A_51, %add3A : vector<128x16xi32>
    %select_n3A_64 = arith.select %and3A_62, %add3A_63, %rem3A_51 : vector<128x16xi1>, vector<128x16xi32>
    %iota3A_65 = tpu.iota {dimensions = array<i32: 1>} : vector<128x16xi32>
    %eq3A_66 = arith.cmpi eq, %select_n3A_64, %iota3A_65 : vector<128x16xi32>
    %convert_element_type3A_67 = arith.extui %eq3A_66 : vector<128x16xi1> to vector<128x16xi32>
    %convert_element_type3A_68 = arith.sitofp %convert_element_type3A_67 : vector<128x16xi32> to vector<128x16xf32>
    %dot_general3A_69 = arith.constant dense<0.000000e+00> : vector<4096x16xf32>
    %dot_general3A_70 = tpu.matmul %select_n3A_43, %convert_element_type3A_68, %dot_general3A_69 {dimension_numbers = #tpu.dot_dimension_numbers<[1], [0], [0], [1], [0, 0, 1, 1], [], []>, transpose_lhs_hint = false} : vector<4096x128xf32>, vector<128x16xf32>, vector<4096x16xf32> -> vector<4096x16xf32>
    %exp3A = math.exp %dot_general3A_70 : vector<4096x16xf32>
    %iota3A_71 = tpu.iota {dimensions = array<i32: 0>} : vector<256x4096xi32>
    %eq3A_72 = vector.broadcast %get3A_13 : vector<1x4096xi32> to vector<256x4096xi32>
    %eq3A_73 = arith.cmpi eq, %eq3A_72, %iota3A_71 : vector<256x4096xi32>
    %convert_element_type3A_74 = arith.extui %eq3A_73 : vector<256x4096xi1> to vector<256x4096xi32>
    %convert_element_type3A_75 = arith.sitofp %convert_element_type3A_74 : vector<256x4096xi32> to vector<256x4096xf32>
    %dot_general3A_76 = arith.constant dense<0.000000e+00> : vector<256x16xf32>
    %dot_general3A_77 = tpu.matmul %convert_element_type3A_75, %exp3A, %dot_general3A_76 {dimension_numbers = #tpu.dot_dimension_numbers<[1], [0], [0], [1], [0, 0, 1, 1], [], []>, transpose_lhs_hint = false} : vector<256x4096xf32>, vector<4096x16xf32>, vector<256x16xf32> -> vector<256x16xf32>
    %swap3A = arith.constant 0 : index
    %swap3A_78 = arith.constant 0 : index
    %swap3A_79 = arith.constant 0 : index
    %swap3A_80 = vector.load %arg5[%swap3A, %swap3A_78, %swap3A_79] : memref<1x4096x16xf32, #tpu.memory_space<vmem>>, vector<1x4096x16xf32>
    %swap3A_81 = vector.shape_cast %swap3A_80 : vector<1x4096x16xf32> to vector<4096x16xf32>
    %swap3A_82 = vector.shape_cast %exp3A : vector<4096x16xf32> to vector<1x4096x16xf32>
    tpu.vector_store %arg5[%swap3A, %swap3A_78, %swap3A_79], %swap3A_82 {strides = array<i32>} : memref<1x4096x16xf32, #tpu.memory_space<vmem>>, vector<1x4096x16xf32>,
    %add3A_83 = arith.constant 1.000000e-16 : f32
    %add3A_84 = vector.broadcast %add3A_83 : f32 to vector<256x16xf32>
    %add3A_85 = arith.addf %dot_general3A_77, %add3A_84 : vector<256x16xf32>
    %div3A_86 = arith.constant 1.000000e+00 : f32
    %div3A_87 = vector.broadcast %div3A_86 : f32 to vector<256x16xf32>
    %div3A_88 = arith.divf %div3A_87, %add3A_85 : vector<256x16xf32>
    %swap3A_89 = arith.constant 0 : index
    %swap3A_90 = arith.constant 0 : index
    %swap3A_91 = arith.constant 0 : index
    %swap3A_92 = vector.load %arg6[%swap3A_89, %swap3A_90, %swap3A_91] : memref<1x256x16xf32, #tpu.memory_space<vmem>>, vector<1x256x16xf32>
    %swap3A_93 = vector.shape_cast %swap3A_92 : vector<1x256x16xf32> to vector<256x16xf32>
    %swap3A_94 = vector.shape_cast %div3A_88 : vector<256x16xf32> to vector<1x256x16xf32>
    tpu.vector_store %arg6[%swap3A_89, %swap3A_90, %swap3A_91], %swap3A_94 {strides = array<i32>} : memref<1x256x16xf32, #tpu.memory_space<vmem>>, vector<1x256x16xf32>,
    return
  }
  func.func @transform_0(%arg0: i32) -> (i32, i32, i32) {
    %c0_i32 = arith.constant 0 : i32
    %c0_i32_0 = arith.constant 0 : i32
    %c0_i32_1 = arith.constant 0 : i32
    return %arg0, %c0_i32, %c0_i32_0 : i32, i32, i32
  }
  func.func @transform_1(%arg0: i32) -> (i32, i32, i32) {
    %c0_i32 = arith.constant 0 : i32
    %c0_i32_0 = arith.constant 0 : i32
    %c0_i32_1 = arith.constant 0 : i32
    return %arg0, %c0_i32, %c0_i32_0 : i32, i32, i32
  }
  func.func @transform_2(%arg0: i32) -> (i32, i32, i32) {
    %c0_i32 = arith.constant 0 : i32
    %c0_i32_0 = arith.constant 0 : i32
    %c0_i32_1 = arith.constant 0 : i32
    return %arg0, %c0_i32, %c0_i32_0 : i32, i32, i32
  }
  func.func @transform_3(%arg0: i32) -> (i32, i32) {
    %c0_i32 = arith.constant 0 : i32
    %c0_i32_0 = arith.constant 0 : i32
    %c0_i32_1 = arith.constant 0 : i32
    return %c0_i32, %c0_i32_0 : i32, i32
  }
  func.func @transform_4(%arg0: i32) -> (i32, i32, i32) {
    %c0_i32 = arith.constant 0 : i32
    %c0_i32_0 = arith.constant 0 : i32
    %c0_i32_1 = arith.constant 0 : i32
    return %arg0, %c0_i32, %c0_i32_0 : i32, i32, i32
  }
  func.func @transform_5(%arg0: i32) -> (i32, i32, i32) {
    %c0_i32 = arith.constant 0 : i32
    %c0_i32_0 = arith.constant 0 : i32
    %c0_i32_1 = arith.constant 0 : i32
    return %arg0, %c0_i32, %c0_i32_0 : i32, i32, i32
  }
}

</mosaic_0001>

<sc_bundles>
// kernel: kernel.4.cloned.1.call-start
scs
__scs_entry_jumppad:
0x0: {  	(pc) =	sbr.rel $0x88, $3  }
0x1: {  	(tag) =	ssettag $0x0;
	lr =	simm.s32 $0x1  }
0x2: {  	[smem:$0x3F9D] =	sst lr;
	_ =	strace $0xD0000000  }
0x3: {  	_ = 	snop  }
0x4: {  	_ = 	snop  }
0x5: {  	_ = 	snop  }
0x6: {  	_ = 	snop  }
0x7: {  	_ = 	snop  }
__scs_overlays_trampoline_lowered:
0x8: {  	[smem:$0x3FAC] =	sst s0  }
0x9: {  	[smem:$0x3FAD] =	sst s1  }
0xa: {  	[smem:$0x3FAE] =	sst s2  }
0xb: {  	[smem:$0x3FAF] =	sst s3  }
0xc: {  	[smem:$0x3FB0] =	sst s4  }
0xd: {  	[smem:$0x3FB1] =	sst s5  }
0xe: {  	[smem:$0x3FB2] =	sst s6  }
0xf: {  	[smem:$0x3FB3] =	sst s7  }
0x10: {  	[smem:$0x3FB4] =	sst s8  }
0x11: {  	[smem:$0x3FB5] =	sst s9;
	s0 =	simm.s32 @!p0 $0x0  }
0x12: {  	s1 =	sld [smem:$0x3F9B];
	s0 =	simm.s32 @p0 $0x1  }
0x13: {  	[smem:$0x3FB6] =	sst s0;
	s0 =	simm.s32 @!p1 $0x0  }
0x14: {  	s2 =	sld [smem:$0x3F9A];
	s0 =	simm.s32 @p1 $0x1  }
0x15: {  	[smem:$0x3FB7] =	sst s0;
	s0 =	simm.s32 @!p2 $0x0  }
0x16: {  	s3 =	sld [smem:$0x3FDB];
	s0 =	simm.s32 @p2 $0x1  }
0x17: {  	s4 =	simm.s32 $0x1BF5;
	[smem:$0x3FB9] =	sst s0  }
0x18: {  	s0 =	sld [smem:$0x3F9C];
	_ =	swait.ge [sflag:s4], $0x0  }
0x19: {  	s7 =	sld [smem:$0x3F9D]  }
0x1a: {  	s8 =	sadd.s32 $0xFFFFE003, lr  }
0x1b: {  	s9 =	sadd.s32 $0xFFFFFEF7, lr;
	s5 =	simm.s32 $0xFFFFFFFF;
	p2 =	slt.u32 s8, $0xFFFFF086  }
0x1c: {  	p1 =	slt.u32 s9, $0xF7A;
	s5 =	simm.s32 @!p2 $0x0  }
0x1d: {  	s5 =	simm.s32 @p1 $0x1;
	p0 =	seq.s32 s7, s2  }
0x1e: {  	s7 =	smul.u32 @!p0 $0xF7A, s2;
	p2 =	seq.s32 @!p0 s5, $0x0  }
0x1f: {  	s9 =	smul.u32 $0xF7A, s1;
	s8 =	simm.s32 @!p0 $0x1BF5;
	p2 =	por !p2, p0  }
0x20: {  	[sflag:s8] =	ssyncset.s32 @!p0 $0xFFFFF086;
	s6 =	sadd.s32 @!p0 s3, s7;
	s7 =	simm.s32 @!p0 $0x108  }
0x21: {  	s3 =	sadd.s32 s3, s9;
	s6 =	sadd.s32 @!p0 $0x88, s6;
	s7 =	simm.s32 @p2 $0x1082  }
0x22: {  	[simem:s7], [sflag:s8] =	dma.local @!p0 [hbm:s6], $0xF7A  }
0x23: {  	s9 =	sor.u32 $0xD0000000, s2;
	s6 =	simm.s32 $0x108;
	_ =	swait.ge @!p0 [sflag:s8], $0x0  }
0x24: {  	s3 =	sadd.s32 $0x88, s3;
	s6 =	simm.s32 @!p1 $0x1082;
	[sflag:s4] =	ssyncset.s32 $0xFFFFF086  }
0x25: {  	[simem:s6], [sflag:s4] =	dma.local [hbm:s3], $0xF7A  }
0x26: {  	[smem:$0x3F9D] =	sst s1;
	(tag) =	ssettag s2;
	_ =	strace s9  }
0x27: {  	s1 =	sld [smem:$0x3FAD]  }
0x28: {  	s2 =	sld [smem:$0x3FAE]  }
0x29: {  	s4 =	sld [smem:$0x3FB0]  }
0x2a: {  	p0 =	seq.s32 s5, $0x0;
	s5 =	sld [smem:$0x3FB1]  }
0x2b: {  	s6 =	sld [smem:$0x3FB2]  }
0x2c: {  	s7 =	sld [smem:$0x3FB3]  }
0x2d: {  	s3 =	simm.s32 $0x108;
	s8 =	sld [smem:$0x3FB4]  }
0x2e: {  	s3 =	simm.s32 @!p0 $0x1082;
	s9 =	sld [smem:$0x3FB5]  }
0x2f: {  	lr =	sadd.s32 s0, s3;
	s0 =	sld [smem:$0x3FAC]  }
0x30: {  	s3 =	sld [smem:$0x3FAF]  }
0x31: {  	[smem:$0x3FB8] =	sst s10  }
0x32: {  	s10 =	sld [smem:$0x3FB6];
	_ =	sdelay $0x3  }
0x33: {  	p0 =	seq.s32 s10, $0x1;
	s10 =	sld [smem:$0x3FB8];
	_ =	sdelay $0x3  }
0x34: {  	[smem:$0x3FB8] =	sst s10  }
0x35: {  	s10 =	sld [smem:$0x3FB7];
	_ =	sdelay $0x3  }
0x36: {  	p1 =	seq.s32 s10, $0x1;
	s10 =	sld [smem:$0x3FB8];
	_ =	sdelay $0x3  }
0x37: {  	[smem:$0x3FB8] =	sst s10  }
0x38: {  	s10 =	sld [smem:$0x3FB9]  }
0x39: {  	_ = 	snop;
	(pc) =	sbr.ind lr, $3  }
0x3a: {  	_ = 	snop  }
0x3b: {  	_ = 	snop  }
0x3c: {  	p2 =	seq.s32 s10, $0x1;
	s10 =	sld [smem:$0x3FB8]  }
0x3d: {  	_ =	shalt  }
0x3e: {  	_ =	shalt  }
0x3f: {  	_ =	shalt  }
0x40: {  	_ =	shalt  }
0x41: {  	_ =	shalt  }
0x42: {  	_ =	shalt  }
0x43: {  	_ =	shalt  }
0x44: {  	_ =	shalt  }
0x45: {  	_ =	shalt  }
0x46: {  	_ =	shalt  }
0x47: {  	_ =	shalt  }
0x48: {  	_ =	shalt  }
0x49: {  	_ =	shalt  }
0x4a: {  	_ =	shalt  }
0x4b: {  	_ =	shalt  }
0x4c: {  	_ =	shalt  }
0x4d: {  	_ =	shalt  }
0x4e: {  	_ =	shalt  }
0x4f: {  	_ =	shalt  }
0x50: {  	_ =	shalt  }
0x51: {  	_ =	shalt  }
0x52: {  	_ =	shalt  }
0x53: {  	_ =	shalt  }
0x54: {  	_ =	shalt  }
0x55: {  	_ =	shalt  }
0x56: {  	_ =	shalt  }
0x57: {  	_ =	shalt  }
0x58: {  	_ =	shalt  }
0x59: {  	_ =	shalt  }
0x5a: {  	_ =	shalt  }
0x5b: {  	_ =	shalt  }
0x5c: {  	_ =	shalt  }
0x5d: {  	_ =	shalt  }
0x5e: {  	_ =	shalt  }
0x5f: {  	_ =	shalt  }
0x60: {  	_ =	shalt  }
0x61: {  	_ =	shalt  }
0x62: {  	_ =	shalt  }
0x63: {  	_ =	shalt  }
0x64: {  	_ =	shalt  }
0x65: {  	_ =	shalt  }
0x66: {  	_ =	shalt  }
0x67: {  	_ =	shalt  }
0x68: {  	_ =	shalt  }
0x69: {  	_ =	shalt  }
0x6a: {  	_ =	shalt  }
0x6b: {  	_ =	shalt  }
0x6c: {  	_ =	shalt  }
0x6d: {  	_ =	shalt  }
0x6e: {  	_ =	shalt  }
0x6f: {  	_ =	shalt  }
0x70: {  	_ =	shalt  }
0x71: {  	_ =	shalt  }
0x72: {  	_ =	shalt  }
0x73: {  	_ =	shalt  }
0x74: {  	_ =	shalt  }
0x75: {  	_ =	shalt  }
0x76: {  	_ =	shalt  }
0x77: {  	_ =	shalt  }
0x78: {  	_ =	shalt  }
0x79: {  	_ =	shalt  }
0x7a: {  	_ =	shalt  }
0x7b: {  	_ =	shalt  }
0x7c: {  	_ =	shalt  }
0x7d: {  	_ =	shalt  }
0x7e: {  	_ =	shalt  }
0x7f: {  	_ =	shalt  }
0x80: {  	_ =	shalt  }
0x81: {  	_ =	shalt  }
0x82: {  	_ =	shalt  }
0x83: {  	_ =	shalt  }
0x84: {  	_ =	shalt  }
0x85: {  	_ =	shalt  }
0x86: {  	_ =	shalt  }
0x87: {  	_ =	shalt  }
.Lfunc_end0:
.L_simem_size_0:
called_computation_lowered:
.L_overlay_start_0:
0x88: {  	s2 =	sld [smem:$0x3FD9]  }
0x89: {  	s3 =	sld [smem:$0x3FFE];
	_ =	sdelay $0x1  }
0x8a: {  	s1 =	srdreg.scid  }
0x8b: {  	s0 =	sand.u32 $0x1, s1  }
0x8c: {  	s17 =	sshll.u32 s0, $0xA;
	s2 =	sadd.s32 s3, s2  }
0x8d: {  	s2 =	sadd.s32 s2, s17  }
0x8e: {  	[smem:$0x3FC4] =	sst s2  }
0x8f: {  	_ = 	snop  }
0x90: {  	s2 =	sld [smem:$0x3FD0];
	(tm) =	ssettm $0x1  }
0x91: {  	s18 =	sld [smem:$0x3FFB];
	_ =	sdelay $0x3  }
0x92: {  	_ =	strace s18  }
0x93: {  	s3 =	sld [smem:$0x3FFC];
	_ =	sdelay $0x3  }
0x94: {  	_ =	strace s3  }
0x95: {  	s3 =	sld [smem:$0x3FFD];
	_ =	sdelay $0x3  }
0x96: {  	_ =	strace s3  }
0x97: {  	_ =	strace $0x8FFFFFFF  }
0x98: {  	s19 =	sld [smem:$0x3FDB];
	_ =	sdelay $0x1  }
0x99: {  	s4 =	simm.s32 $_scs_section_size  }
0x9a: {  	s5 =	simm.s32 $_size__tile_overlayer_lowered;
	s6 =	simm.s32 $_tile_overlayer_lowered  }
0x9b: {  	s22 =	simm.s32 $0x1BFF;
	s21 =	sshll.u32 s6, $0x1;
	s3 =	sadd.s32 s4, s19  }
0x9c: {  	s7 =	simm.s32 $0x0;
	s20 =	sshll.u32 s5, $0x1;
	s5 =	sadd.s32 s21, s3  }
0x9d: {  	[timem:s7], [sflag:s22] =	dma.local [hbm:s5], s20  }
0x9e: {  	_ =	swait.ge [sflag:s22], s20  }
0x9f: {  	s4 =	ssub.s32 $0x0, s20;
	[sflag:s22] =	ssyncset.done $0x0  }
0xa0: {  	[sflag:s22] =	ssyncadd.s32 s4;
	_ =	sdelay $0x1  }
0xa1: {  	s23 =	simm.s32 $0x1B8B  }
0xa2: {  	_ =	swait.ge [sflag:s23], $0x1  }
0xa3: {  	[sflag:s23] =	ssyncset.done $0x0  }
0xa4: {  	s25 =	simm.s32 $0x1B8E;
	s24 =	sld [smem:$0x3FFE];
	[sflag:s23] =	ssyncadd.s32 $0xFFFFFFFF  }
0xa5: {  	s26 =	simm.s32 $execute0_lowered;
	[smem:$0x3FD2] =	sst s25  }
0xa6: {  	s5 =	sshll.u32 s26, $0x1;
	_ =	strace $0x80000046;
	[dreg:$0x1] =	wrdreg $0xFFFFFFFF  }
0xa7: {  	s28 =	simm.s32 $_size_execute0_lowered;
	s3 =	sadd.s32 s3, s5;
	[dreg:$0x0] =	wrdreg $0x0  }
0xa8: {  	s5 =	sshll.u32 s28, $0x1;
	[dreg:$0x2] =	wrdreg s3  }
0xa9: {  	[dreg:$0x3] =	wrdreg s5  }
0xaa: {  	[dreg:$0x4] =	wrdreg $0xC0  }
0xab: {  	_ =	task [dreg:s7], $0x5FFFF  }
0xac: {  	[dreg:$0x1] =	wrdreg $0xFFFFFFFF  }
0xad: {  	[dreg:$0x0] =	wrdreg $0x60  }
0xae: {  	[dreg:$0x2] =	wrdreg s2  }
0xaf: {  	[dreg:$0x3] =	wrdreg s24  }
0xb0: {  	[dreg:$0x4] =	wrdreg $0x9  }
0xb1: {  	_ =	task.clear_ibuf [dreg:s7], $0x5FFFF;
	_ =	strace $0x90000046  }
0xb2: {  	s29 =	simm.s32 $0x9;
	_ =	strace $0x80000048  }
0xb3: {  	_ =	swait.ge [sflag:s29], $0x1  }
0xb4: {  	[sflag:s29] =	ssyncadd.s32 $0xFFFFFFFF  }
0xb5: {  	_ =	strace $0x90000048  }
0xb6: {  	_ =	sfence  }
0xb7: {  	s30 =	sld [smem:$0x0];
	_ =	sdelay $0x2  }
0xb8: {  	s31 =	sshll.u32 s1, $0xD;
	s1 =	sshrl.u32 s1, $0x2  }
0xb9: {  	s3 =	sand.u32 $0x4000, s31;
	s1 =	sadd.s32 s1, s30  }
0xba: {  	s0 =	sor.u32 s3, s0;
	s1 =	sshll.u32 s1, $0x11  }
0xbb: {  	s0 =	sor.u32 s1, s0  }
0xbc: {  	s0 =	sadd.s32 $0x8F2B, s0  }
0xbd: {  	[sflag:s0] =	ssyncadd.remote.s32 $0x1  }
0xbe: {  	_ =	sfence.sel $0xFFFF  }
0xbf: {  	[dreg:$0x0] =	wrdreg $0xFFFFFFFF;
	(pc) =	sbr.abs _section_cstart, $3  }
0xc0: {  	[dreg:$0x1] =	wrdreg $0xFFFFFFFF  }
0xc1: {  	_ =	task.clear_ibuf [dreg:s7], $0x2FFFF;
	_ =	strace $0x9FFFFFFF  }
0xc2: {  	(tm) =	ssettm $0x7FFFFFFF  }
0xc3: {  	_ =	shalt  }
tec
execute0_lowered:
.L_overlay_start_1:
0x0: {  	(tag) =	ssettag $0x1  }
0x1: {  	s0 =	rddreg [dreg:$0x0]  }
0x2: {  	s1 =	rddreg [dreg:$0x1]  }
0x3: {  	s3 =	srdreg.scid;
	s4 =	stileid.u32  }
0x4: {  	s2 =	simm.s32 $0x0;
	s9 =	simm.s32 $0x8800;
	s10 =	simm.s32 $0x80  }
0x5: {  	s25 =	simm.s32 $0x400;
	s28 =	simm.s32 $0x480;
	s29 =	simm.s32 $0x5000  }
0x6: {  	s30 =	simm.s32 $0x500;
	s31 =	simm.s32 $0x5800;
	s11 =	simm.s32 $0x600  }
0x7: {  	s12 =	simm.s32 $0x6800;
	s13 =	simm.s32 $0x680;
	s14 =	simm.s32 $0x7000  }
0x8: {  	s15 =	simm.s32 $0x700;
	s16 =	simm.s32 $0x7800;
	s17 =	simm.s32 $0x780  }
0x9: {  	s18 =	simm.s32 $0x8000;
	s19 =	simm.s32 $0x1;
	s20 =	simm.s32 $0x0  }
0xa: {  	s3 =	sand.u32 $0x1, s3;
	s4 =	sshll.u32 s4, $0x1;
	[smem:$0x7FF] =	sst s2  }
0xb: {  	s4 =	sor.u32 s3, s4;
	_ =	strace $0x80000047;
	s6 =	ssub.s32 $0x2, s3  }
0xc: {  	s3 =	sadd.s32 $0xC00, s1;
	s5 =	sshll.u32 s4, $0x8;
	s7 =	sshll.u32 s4, $0xC  }
0xd: {  	s26 =	sshrl.u32 s6, $0x1;
	s5 =	sadd.s32 s5, s1;
	s1 =	sadd.s32 s7, s1  }
0xe: {  	s8 =	ssub.s32 s6, s26;
	s26 =	simm.s32 $0x4800;
	s4 =	sadd.s32 $0x2C00, s5  }
0xf: {  	s5 =	sadd.s32 s0, s7;
	s6 =	sadd.s32 $0x4C00, s1;
	s7 =	smax.u32 s8, $0x1  }
0x10: {  	s8 =	simm.s32 $0x2;
	s0 =	simm.s32 $0x580;
	s1 =	simm.s32 $0x6000  }
.LBB2_1:
0x11: {  	[tilespmem:s2], [sflag:$0x2] =	stream.linear.gather [hbm4b:s4+s2], $0x800, $0x38;
	[tilespmem:$0x10800] =	vst v63  }
0x12: {  	_ =	swait.ge [sflag:s8], $0x800  }
0x13: {  	[sflag:s8] =	ssyncset.done $0x0  }
0x14: {  	[sflag:s8] =	ssyncadd.s32 $0xFFFFF800  }
0x15: {  	[tilespmem:s9], [sflag:$0x2] =	stream.linear.gather [hbm4b:s5+s2], $0x8000, $0x38;
	[tilespmem:$0x10800] =	vst v63  }
0x16: {  	_ =	swait.ge [sflag:s8], $0x8000  }
0x17: {  	[sflag:s8] =	ssyncset.done $0x0  }
0x18: {  	s21 =	simm.s32 $0x800;
	[sflag:s8] =	ssyncadd.s32 $0xFFFF8000  }
0x19: {  	[tilespmem:s21], [sflag:$0x1] =	stream.indirect.gather [hbm4b:s3+s10], $0x10, s2, s10, $0xb8;
	[tilespmem:$0x10800] =	vst v63  }
0x1a: {  	s23 =	simm.s32 $0x1000  }
0x1b: {  	[tilespmem:s23], [sflag:$0x1] =	stream.indirect.gather [hbm4b:s3+s10], $0x10, s10, s10, $0xb8;
	[tilespmem:$0x10800] =	vst v63  }
0x1c: {  	s24 =	simm.s32 $0x100;
	s22 =	simm.s32 $0x1800  }
0x1d: {  	[tilespmem:s22], [sflag:$0x1] =	stream.indirect.gather [hbm4b:s3+s10], $0x10, s24, s10, $0xb8;
	[tilespmem:$0x10800] =	vst v63  }
0x1e: {  	s23 =	simm.s32 $0x180;
	s24 =	simm.s32 $0x2000  }
0x1f: {  	[tilespmem:s24], [sflag:$0x1] =	stream.indirect.gather [hbm4b:s3+s10], $0x10, s23, s10, $0xb8;
	[tilespmem:$0x10800] =	vst v63  }
0x20: {  	s23 =	simm.s32 $0x200;
	s24 =	simm.s32 $0x2800  }
0x21: {  	[tilespmem:s24], [sflag:$0x1] =	stream.indirect.gather [hbm4b:s3+s10], $0x10, s23, s10, $0xb8;
	[tilespmem:$0x10800] =	vst v63  }
0x22: {  	s23 =	simm.s32 $0x280;
	s24 =	simm.s32 $0x3000  }
0x23: {  	[tilespmem:s24], [sflag:$0x1] =	stream.indirect.gather [hbm4b:s3+s10], $0x10, s23, s10, $0xb8;
	[tilespmem:$0x10800] =	vst v63  }
0x24: {  	s23 =	simm.s32 $0x300;
	s24 =	simm.s32 $0x3800  }
0x25: {  	[tilespmem:s24], [sflag:$0x1] =	stream.indirect.gather [hbm4b:s3+s10], $0x10, s23, s10, $0xb8;
	[tilespmem:$0x10800] =	vst v63  }
0x26: {  	s23 =	simm.s32 $0x380;
	s24 =	simm.s32 $0x4000  }
0x27: {  	[tilespmem:s24], [sflag:$0x1] =	stream.indirect.gather [hbm4b:s3+s10], $0x10, s23, s10, $0xb8;
	[tilespmem:$0x10800] =	vst v63  }
0x28: {  	_ = 	snop  }
0x29: {  	[tilespmem:s26], [sflag:$0x1] =	stream.indirect.gather [hbm4b:s3+s10], $0x10, s25, s10, $0xb8;
	[tilespmem:$0x10800] =	vst v63  }
0x2a: {  	_ = 	snop  }
0x2b: {  	[tilespmem:s29], [sflag:$0x1] =	stream.indirect.gather [hbm4b:s3+s10], $0x10, s28, s10, $0xb8;
	[tilespmem:$0x10800] =	vst v63  }
0x2c: {  	_ = 	snop  }
0x2d: {  	[tilespmem:s31], [sflag:$0x1] =	stream.indirect.gather [hbm4b:s3+s10], $0x10, s30, s10, $0xb8;
	[tilespmem:$0x10800] =	vst v63  }
0x2e: {  	_ = 	snop  }
0x2f: {  	[tilespmem:s1], [sflag:$0x1] =	stream.indirect.gather [hbm4b:s3+s10], $0x10, s0, s10, $0xb8;
	[tilespmem:$0x10800] =	vst v63  }
0x30: {  	_ = 	snop  }
0x31: {  	[tilespmem:s12], [sflag:$0x1] =	stream.indirect.gather [hbm4b:s3+s10], $0x10, s11, s10, $0xb8;
	[tilespmem:$0x10800] =	vst v63  }
0x32: {  	_ = 	snop  }
0x33: {  	[tilespmem:s14], [sflag:$0x1] =	stream.indirect.gather [hbm4b:s3+s10], $0x10, s13, s10, $0xb8;
	[tilespmem:$0x10800] =	vst v63  }
0x34: {  	_ = 	snop  }
0x35: {  	[tilespmem:s16], [sflag:$0x1] =	stream.indirect.gather [hbm4b:s3+s10], $0x10, s15, s10, $0xb8;
	[tilespmem:$0x10800] =	vst v63  }
0x36: {  	_ = 	snop  }
0x37: {  	[tilespmem:s18], [sflag:$0x1] =	stream.indirect.gather [hbm4b:s3+s10], $0x10, s17, s10, $0xb8;
	[tilespmem:$0x10800] =	vst v63  }
0x38: {  	_ =	swait.ge [sflag:s19], $0x800  }
0x39: {  	[sflag:s19] =	ssyncset.done $0x0  }
0x3a: {  	[sflag:s19] =	ssyncadd.s32 $0xFFFFF800  }
0x3b: {  	_ =	swait.ge [sflag:s19], $0x800  }
0x3c: {  	[sflag:s19] =	ssyncset.done $0x0  }
0x3d: {  	[sflag:s19] =	ssyncadd.s32 $0xFFFFF800  }
0x3e: {  	_ =	swait.ge [sflag:s19], $0x800  }
0x3f: {  	[sflag:s19] =	ssyncset.done $0x0  }
0x40: {  	[sflag:s19] =	ssyncadd.s32 $0xFFFFF800  }
0x41: {  	_ =	swait.ge [sflag:s19], $0x800  }
0x42: {  	[sflag:s19] =	ssyncset.done $0x0  }
0x43: {  	[sflag:s19] =	ssyncadd.s32 $0xFFFFF800  }
0x44: {  	_ =	swait.ge [sflag:s19], $0x800  }
0x45: {  	[sflag:s19] =	ssyncset.done $0x0  }
0x46: {  	[sflag:s19] =	ssyncadd.s32 $0xFFFFF800  }
0x47: {  	_ =	swait.ge [sflag:s19], $0x800  }
0x48: {  	[sflag:s19] =	ssyncset.done $0x0  }
0x49: {  	[sflag:s19] =	ssyncadd.s32 $0xFFFFF800  }
0x4a: {  	_ =	swait.ge [sflag:s19], $0x800  }
0x4b: {  	[sflag:s19] =	ssyncset.done $0x0  }
0x4c: {  	[sflag:s19] =	ssyncadd.s32 $0xFFFFF800  }
0x4d: {  	_ =	swait.ge [sflag:s19], $0x800  }
0x4e: {  	[sflag:s19] =	ssyncset.done $0x0  }
0x4f: {  	[sflag:s19] =	ssyncadd.s32 $0xFFFFF800  }
0x50: {  	_ =	swait.ge [sflag:s19], $0x800  }
0x51: {  	[sflag:s19] =	ssyncset.done $0x0  }
0x52: {  	[sflag:s19] =	ssyncadd.s32 $0xFFFFF800  }
0x53: {  	_ =	swait.ge [sflag:s19], $0x800  }
0x54: {  	[sflag:s19] =	ssyncset.done $0x0  }
0x55: {  	[sflag:s19] =	ssyncadd.s32 $0xFFFFF800  }
0x56: {  	_ =	swait.ge [sflag:s19], $0x800  }
0x57: {  	[sflag:s19] =	ssyncset.done $0x0  }
0x58: {  	[sflag:s19] =	ssyncadd.s32 $0xFFFFF800  }
0x59: {  	_ =	swait.ge [sflag:s19], $0x800  }
0x5a: {  	[sflag:s19] =	ssyncset.done $0x0  }
0x5b: {  	[sflag:s19] =	ssyncadd.s32 $0xFFFFF800  }
0x5c: {  	_ =	swait.ge [sflag:s19], $0x800  }
0x5d: {  	[sflag:s19] =	ssyncset.done $0x0  }
0x5e: {  	[sflag:s19] =	ssyncadd.s32 $0xFFFFF800  }
0x5f: {  	_ =	swait.ge [sflag:s19], $0x800  }
0x60: {  	[sflag:s19] =	ssyncset.done $0x0  }
0x61: {  	[sflag:s19] =	ssyncadd.s32 $0xFFFFF800  }
0x62: {  	_ =	swait.ge [sflag:s19], $0x800  }
0x63: {  	[sflag:s19] =	ssyncset.done $0x0  }
0x64: {  	[sflag:s19] =	ssyncadd.s32 $0xFFFFF800  }
0x65: {  	_ =	swait.ge [sflag:s19], $0x800  }
0x66: {  	[sflag:s19] =	ssyncset.done $0x0  }
0x67: {  	s21 =	simm.s32 $0x0;
	[sflag:s19] =	ssyncadd.s32 $0xFFFFF800  }
0x68: {  	s22 =	simm.s32 $0x40;
	v0 =	vld [tilespmem:s21+$0x800]  }
.LBB2_2:
0x69: {  	p0 =	sne.s32 s22, $0x1FC0;
	v1 =	vld [tilespmem:s21+$0x8800];
	_ =	sdelay $0x2  }
.Ltmp0:
0x6a: {  	(pc) =	sbr.rel @p0 .LBB2_2-.Ltmp0, $4  }
0x6b: {  	_ = 	snop  }
0x6c: {  	v1 =	vmul.f32 v0, v1  }
0x6d: {  	s23 =	sshra.s32 s22, $0x2  }
0x6e: {  	s22 =	sadd.s32 $0x40, s22;
	v0 =	vld [tilespmem:s23+$0x800];
	[tilespmem:s21+$0x8800] =	vst v1;
	s21 =	smov.u32 s23  }
0x6f: {  	v1 =	vld [tilespmem:s21+$0x8800];
	_ =	sdelay $0x4  }
0x70: {  	v0 =	vmul.f32 v0, v1;
	_ =	sdelay $0x1  }
0x71: {  	[tilespmem:s21+$0x8800] =	vst v0;
	s21 =	simm.s32 $0x0  }
0x72: {  	s23 =	simm.s32 $0x40;
	s22 =	simm.s32 $0x0;
	v0 =	vld [tilespmem:s21+$0x1000]  }
.LBB2_4:
0x73: {  	p0 =	sne.s32 s23, $0x1FC0;
	v1 =	vld [tilespmem:s22+$0x9000];
	_ =	sdelay $0x2  }
.Ltmp1:
0x74: {  	(pc) =	sbr.rel @p0 .LBB2_4-.Ltmp1, $4  }
0x75: {  	_ = 	snop  }
0x76: {  	v1 =	vmul.f32 v0, v1  }
0x77: {  	s24 =	sshra.s32 s23, $0x2  }
0x78: {  	s23 =	sadd.s32 $0x40, s23;
	v0 =	vld [tilespmem:s24+$0x1000];
	[tilespmem:s22+$0x9000] =	vst v1;
	s22 =	smov.u32 s24  }
0x79: {  	v1 =	vld [tilespmem:s22+$0x9000];
	_ =	sdelay $0x4  }
0x7a: {  	v0 =	vmul.f32 v0, v1;
	_ =	sdelay $0x1  }
0x7b: {  	[tilespmem:s22+$0x9000] =	vst v0  }
0x7c: {  	s22 =	simm.s32 $0x40;
	v0 =	vld [tilespmem:s21+$0x1800]  }
.LBB2_6:
0x7d: {  	p0 =	sne.s32 s22, $0x1FC0;
	v1 =	vld [tilespmem:s21+$0x9800];
	_ =	sdelay $0x2  }
.Ltmp2:
0x7e: {  	(pc) =	sbr.rel @p0 .LBB2_6-.Ltmp2, $4  }
0x7f: {  	_ = 	snop  }
0x80: {  	v1 =	vmul.f32 v0, v1  }
0x81: {  	s23 =	sshra.s32 s22, $0x2  }
0x82: {  	s22 =	sadd.s32 $0x40, s22;
	v0 =	vld [tilespmem:s23+$0x1800];
	[tilespmem:s21+$0x9800] =	vst v1;
	s21 =	smov.u32 s23  }
0x83: {  	v1 =	vld [tilespmem:s21+$0x9800];
	_ =	sdelay $0x4  }
0x84: {  	v0 =	vmul.f32 v0, v1;
	_ =	sdelay $0x1  }
0x85: {  	[tilespmem:s21+$0x9800] =	vst v0;
	s21 =	simm.s32 $0x0  }
0x86: {  	s23 =	simm.s32 $0x40;
	s22 =	simm.s32 $0x0;
	v0 =	vld [tilespmem:s21+$0x2000]  }
.LBB2_8:
0x87: {  	p0 =	sne.s32 s23, $0x1FC0;
	v1 =	vld [tilespmem:s22+$0xA000];
	_ =	sdelay $0x2  }
.Ltmp3:
0x88: {  	(pc) =	sbr.rel @p0 .LBB2_8-.Ltmp3, $4  }
0x89: {  	_ = 	snop  }
0x8a: {  	v1 =	vmul.f32 v0, v1  }
0x8b: {  	s24 =	sshra.s32 s23, $0x2  }
0x8c: {  	s23 =	sadd.s32 $0x40, s23;
	v0 =	vld [tilespmem:s24+$0x2000];
	[tilespmem:s22+$0xA000] =	vst v1;
	s22 =	smov.u32 s24  }
0x8d: {  	v1 =	vld [tilespmem:s22+$0xA000];
	_ =	sdelay $0x4  }
0x8e: {  	v0 =	vmul.f32 v0, v1;
	_ =	sdelay $0x1  }
0x8f: {  	[tilespmem:s22+$0xA000] =	vst v0  }
0x90: {  	s22 =	simm.s32 $0x40;
	v0 =	vld [tilespmem:s21+$0x2800]  }
.LBB2_10:
0x91: {  	p0 =	sne.s32 s22, $0x1FC0;
	v1 =	vld [tilespmem:s21+$0xA800];
	_ =	sdelay $0x2  }
.Ltmp4:
0x92: {  	(pc) =	sbr.rel @p0 .LBB2_10-.Ltmp4, $4  }
0x93: {  	_ = 	snop  }
0x94: {  	v1 =	vmul.f32 v0, v1  }
0x95: {  	s23 =	sshra.s32 s22, $0x2  }
0x96: {  	s22 =	sadd.s32 $0x40, s22;
	v0 =	vld [tilespmem:s23+$0x2800];
	[tilespmem:s21+$0xA800] =	vst v1;
	s21 =	smov.u32 s23  }
0x97: {  	v1 =	vld [tilespmem:s21+$0xA800];
	_ =	sdelay $0x4  }
0x98: {  	v0 =	vmul.f32 v0, v1;
	_ =	sdelay $0x1  }
0x99: {  	[tilespmem:s21+$0xA800] =	vst v0;
	s21 =	simm.s32 $0x0  }
0x9a: {  	s23 =	simm.s32 $0x40;
	s22 =	simm.s32 $0x0;
	v0 =	vld [tilespmem:s21+$0x3000]  }
.LBB2_12:
0x9b: {  	p0 =	sne.s32 s23, $0x1FC0;
	v1 =	vld [tilespmem:s22+$0xB000];
	_ =	sdelay $0x2  }
.Ltmp5:
0x9c: {  	(pc) =	sbr.rel @p0 .LBB2_12-.Ltmp5, $4  }
0x9d: {  	_ = 	snop  }
0x9e: {  	v1 =	vmul.f32 v0, v1  }
0x9f: {  	s24 =	sshra.s32 s23, $0x2  }
0xa0: {  	s23 =	sadd.s32 $0x40, s23;
	v0 =	vld [tilespmem:s24+$0x3000];
	[tilespmem:s22+$0xB000] =	vst v1;
	s22 =	smov.u32 s24  }
0xa1: {  	v1 =	vld [tilespmem:s22+$0xB000];
	_ =	sdelay $0x4  }
0xa2: {  	v0 =	vmul.f32 v0, v1;
	_ =	sdelay $0x1  }
0xa3: {  	[tilespmem:s22+$0xB000] =	vst v0  }
0xa4: {  	s22 =	simm.s32 $0x40;
	v0 =	vld [tilespmem:s21+$0x3800]  }
.LBB2_14:
0xa5: {  	p0 =	sne.s32 s22, $0x1FC0;
	v1 =	vld [tilespmem:s21+$0xB800];
	_ =	sdelay $0x2  }
.Ltmp6:
0xa6: {  	(pc) =	sbr.rel @p0 .LBB2_14-.Ltmp6, $4  }
0xa7: {  	_ = 	snop  }
0xa8: {  	v1 =	vmul.f32 v0, v1  }
0xa9: {  	s23 =	sshra.s32 s22, $0x2  }
0xaa: {  	s22 =	sadd.s32 $0x40, s22;
	v0 =	vld [tilespmem:s23+$0x3800];
	[tilespmem:s21+$0xB800] =	vst v1;
	s21 =	smov.u32 s23  }
0xab: {  	v1 =	vld [tilespmem:s21+$0xB800];
	_ =	sdelay $0x4  }
0xac: {  	v0 =	vmul.f32 v0, v1;
	_ =	sdelay $0x1  }
0xad: {  	[tilespmem:s21+$0xB800] =	vst v0;
	s21 =	simm.s32 $0x0  }
0xae: {  	s23 =	simm.s32 $0x40;
	s22 =	simm.s32 $0x0;
	v0 =	vld [tilespmem:s21+$0x4000]  }
.LBB2_16:
0xaf: {  	p0 =	sne.s32 s23, $0x1FC0;
	v1 =	vld [tilespmem:s22+$0xC000];
	_ =	sdelay $0x2  }
.Ltmp7:
0xb0: {  	(pc) =	sbr.rel @p0 .LBB2_16-.Ltmp7, $4  }
0xb1: {  	_ = 	snop  }
0xb2: {  	v1 =	vmul.f32 v0, v1  }
0xb3: {  	s24 =	sshra.s32 s23, $0x2  }
0xb4: {  	s23 =	sadd.s32 $0x40, s23;
	v0 =	vld [tilespmem:s24+$0x4000];
	[tilespmem:s22+$0xC000] =	vst v1;
	s22 =	smov.u32 s24  }
0xb5: {  	v1 =	vld [tilespmem:s22+$0xC000];
	_ =	sdelay $0x4  }
0xb6: {  	v0 =	vmul.f32 v0, v1;
	_ =	sdelay $0x1  }
0xb7: {  	[tilespmem:s22+$0xC000] =	vst v0  }
0xb8: {  	s22 =	simm.s32 $0x40;
	v0 =	vld [tilespmem:s21+$0x4800]  }
.LBB2_18:
0xb9: {  	p0 =	sne.s32 s22, $0x1FC0;
	v1 =	vld [tilespmem:s21+$0xC800];
	_ =	sdelay $0x2  }
.Ltmp8:
0xba: {  	(pc) =	sbr.rel @p0 .LBB2_18-.Ltmp8, $4  }
0xbb: {  	_ = 	snop  }
0xbc: {  	v1 =	vmul.f32 v0, v1  }
0xbd: {  	s23 =	sshra.s32 s22, $0x2  }
0xbe: {  	s22 =	sadd.s32 $0x40, s22;
	v0 =	vld [tilespmem:s23+$0x4800];
	[tilespmem:s21+$0xC800] =	vst v1;
	s21 =	smov.u32 s23  }
0xbf: {  	v1 =	vld [tilespmem:s21+$0xC800];
	_ =	sdelay $0x4  }
0xc0: {  	v0 =	vmul.f32 v0, v1;
	_ =	sdelay $0x1  }
0xc1: {  	[tilespmem:s21+$0xC800] =	vst v0;
	s21 =	simm.s32 $0x0  }
0xc2: {  	s23 =	simm.s32 $0x40;
	s22 =	simm.s32 $0x0;
	v0 =	vld [tilespmem:s21+$0x5000]  }
.LBB2_20:
0xc3: {  	p0 =	sne.s32 s23, $0x1FC0;
	v1 =	vld [tilespmem:s22+$0xD000];
	_ =	sdelay $0x2  }
.Ltmp9:
0xc4: {  	(pc) =	sbr.rel @p0 .LBB2_20-.Ltmp9, $4  }
0xc5: {  	_ = 	snop  }
0xc6: {  	v1 =	vmul.f32 v0, v1  }
0xc7: {  	s24 =	sshra.s32 s23, $0x2  }
0xc8: {  	s23 =	sadd.s32 $0x40, s23;
	v0 =	vld [tilespmem:s24+$0x5000];
	[tilespmem:s22+$0xD000] =	vst v1;
	s22 =	smov.u32 s24  }
0xc9: {  	v1 =	vld [tilespmem:s22+$0xD000];
	_ =	sdelay $0x4  }
0xca: {  	v0 =	vmul.f32 v0, v1;
	_ =	sdelay $0x1  }
0xcb: {  	[tilespmem:s22+$0xD000] =	vst v0  }
0xcc: {  	s22 =	simm.s32 $0x40;
	v0 =	vld [tilespmem:s21+$0x5800]  }
.LBB2_22:
0xcd: {  	p0 =	sne.s32 s22, $0x1FC0;
	v1 =	vld [tilespmem:s21+$0xD800];
	_ =	sdelay $0x2  }
.Ltmp10:
0xce: {  	(pc) =	sbr.rel @p0 .LBB2_22-.Ltmp10, $4  }
0xcf: {  	_ = 	snop  }
0xd0: {  	v1 =	vmul.f32 v0, v1  }
0xd1: {  	s23 =	sshra.s32 s22, $0x2  }
0xd2: {  	s22 =	sadd.s32 $0x40, s22;
	v0 =	vld [tilespmem:s23+$0x5800];
	[tilespmem:s21+$0xD800] =	vst v1;
	s21 =	smov.u32 s23  }
0xd3: {  	v1 =	vld [tilespmem:s21+$0xD800];
	_ =	sdelay $0x4  }
0xd4: {  	v0 =	vmul.f32 v0, v1;
	_ =	sdelay $0x1  }
0xd5: {  	[tilespmem:s21+$0xD800] =	vst v0;
	s21 =	simm.s32 $0x0  }
0xd6: {  	s23 =	simm.s32 $0x40;
	s22 =	simm.s32 $0x0;
	v0 =	vld [tilespmem:s21+$0x6000]  }
.LBB2_24:
0xd7: {  	p0 =	sne.s32 s23, $0x1FC0;
	v1 =	vld [tilespmem:s22+$0xE000];
	_ =	sdelay $0x2  }
.Ltmp11:
0xd8: {  	(pc) =	sbr.rel @p0 .LBB2_24-.Ltmp11, $4  }
0xd9: {  	_ = 	snop  }
0xda: {  	v1 =	vmul.f32 v0, v1  }
0xdb: {  	s24 =	sshra.s32 s23, $0x2  }
0xdc: {  	s23 =	sadd.s32 $0x40, s23;
	v0 =	vld [tilespmem:s24+$0x6000];
	[tilespmem:s22+$0xE000] =	vst v1;
	s22 =	smov.u32 s24  }
0xdd: {  	v1 =	vld [tilespmem:s22+$0xE000];
	_ =	sdelay $0x4  }
0xde: {  	v0 =	vmul.f32 v0, v1;
	_ =	sdelay $0x1  }
0xdf: {  	[tilespmem:s22+$0xE000] =	vst v0  }
0xe0: {  	s22 =	simm.s32 $0x40;
	v0 =	vld [tilespmem:s21+$0x6800]  }
.LBB2_26:
0xe1: {  	p0 =	sne.s32 s22, $0x1FC0;
	v1 =	vld [tilespmem:s21+$0xE800];
	_ =	sdelay $0x2  }
.Ltmp12:
0xe2: {  	(pc) =	sbr.rel @p0 .LBB2_26-.Ltmp12, $4  }
0xe3: {  	_ = 	snop  }
0xe4: {  	v1 =	vmul.f32 v0, v1  }
0xe5: {  	s23 =	sshra.s32 s22, $0x2  }
0xe6: {  	s22 =	sadd.s32 $0x40, s22;
	v0 =	vld [tilespmem:s23+$0x6800];
	[tilespmem:s21+$0xE800] =	vst v1;
	s21 =	smov.u32 s23  }
0xe7: {  	v1 =	vld [tilespmem:s21+$0xE800];
	_ =	sdelay $0x4  }
0xe8: {  	v0 =	vmul.f32 v0, v1;
	_ =	sdelay $0x1  }
0xe9: {  	[tilespmem:s21+$0xE800] =	vst v0;
	s21 =	simm.s32 $0x0  }
0xea: {  	s23 =	simm.s32 $0x40;
	s22 =	simm.s32 $0x0;
	v0 =	vld [tilespmem:s21+$0x7000]  }
.LBB2_28:
0xeb: {  	p0 =	sne.s32 s23, $0x1FC0;
	v1 =	vld [tilespmem:s22+$0xF000];
	_ =	sdelay $0x2  }
.Ltmp13:
0xec: {  	(pc) =	sbr.rel @p0 .LBB2_28-.Ltmp13, $4  }
0xed: {  	_ = 	snop  }
0xee: {  	v1 =	vmul.f32 v0, v1  }
0xef: {  	s24 =	sshra.s32 s23, $0x2  }
0xf0: {  	s23 =	sadd.s32 $0x40, s23;
	v0 =	vld [tilespmem:s24+$0x7000];
	[tilespmem:s22+$0xF000] =	vst v1;
	s22 =	smov.u32 s24  }
0xf1: {  	v1 =	vld [tilespmem:s22+$0xF000];
	_ =	sdelay $0x4  }
0xf2: {  	v0 =	vmul.f32 v0, v1;
	_ =	sdelay $0x1  }
0xf3: {  	[tilespmem:s22+$0xF000] =	vst v0  }
0xf4: {  	s22 =	simm.s32 $0x40;
	v0 =	vld [tilespmem:s21+$0x7800]  }
.LBB2_30:
0xf5: {  	p0 =	sne.s32 s22, $0x1FC0;
	v1 =	vld [tilespmem:s21+$0xF800];
	_ =	sdelay $0x2  }
.Ltmp14:
0xf6: {  	(pc) =	sbr.rel @p0 .LBB2_30-.Ltmp14, $4  }
0xf7: {  	_ = 	snop  }
0xf8: {  	v1 =	vmul.f32 v0, v1  }
0xf9: {  	s23 =	sshra.s32 s22, $0x2  }
0xfa: {  	s22 =	sadd.s32 $0x40, s22;
	v0 =	vld [tilespmem:s23+$0x7800];
	[tilespmem:s21+$0xF800] =	vst v1;
	s21 =	smov.u32 s23  }
0xfb: {  	v1 =	vld [tilespmem:s21+$0xF800];
	_ =	sdelay $0x4  }
0xfc: {  	v0 =	vmul.f32 v0, v1;
	_ =	sdelay $0x1  }
0xfd: {  	[tilespmem:s21+$0xF800] =	vst v0;
	s21 =	simm.s32 $0x0  }
0xfe: {  	s22 =	simm.s32 $0x40;
	v0 =	vld [tilespmem:s21+$0x8000]  }
.LBB2_32:
0xff: {  	p0 =	sne.s32 s22, $0x1FC0;
	v1 =	vld [tilespmem:s21+$0x10000];
	_ =	sdelay $0x2  }
.Ltmp15:
0x100: {  	(pc) =	sbr.rel @p0 .LBB2_32-.Ltmp15, $4  }
0x101: {  	_ = 	snop  }
0x102: {  	v1 =	vmul.f32 v0, v1  }
0x103: {  	s23 =	sshra.s32 s22, $0x2  }
0x104: {  	s22 =	sadd.s32 $0x40, s22;
	v0 =	vld [tilespmem:s23+$0x8000];
	[tilespmem:s21+$0x10000] =	vst v1;
	s21 =	smov.u32 s23  }
0x105: {  	v1 =	vld [tilespmem:s21+$0x10000];
	_ =	sdelay $0x4  }
0x106: {  	s20 =	sadd.s32 $0x1, s20;
	v0 =	vmul.f32 v0, v1  }
0x107: {  	p0 =	sne.s32 s20, s7  }
.Ltmp16:
0x108: {  	[tilespmem:s21+$0x10000] =	vst v0;
	(pc) =	sbr.rel @p0 .LBB2_1-.Ltmp16, $4  }
0x109: {  	[hbm4b:s6+s2] =	stream.linear.scatter [tilespmem:s9], [sflag:$0x2], $0x8000, $0x38;
	[tilespmem:$0x10800] =	vst v63  }
0x10a: {  	_ =	swait.ge [sflag:s8], $0x8000  }
0x10b: {  	[sflag:s8] =	ssyncset.done $0x0  }
0x10c: {  	[sflag:s8] =	ssyncadd.s32 $0xFFFF8000  }
0x10d: {  	_ =	sfence.sel $0x180000  }
0x10e: {  	[bflag:$0x0] =	sbarrier.arrive $0xFFFF  }
0x10f: {  	_ =	strace $0x90000047  }
0x110: {  	s0 =	stileid.u32;
	[bflag:$0x2] =	sbarrier.arrive $0xFFFF  }
0x111: {  	p0 =	sne.s32 s0, $0x0;
	s0 =	rddreg [dreg:$0x2]  }
0x112: {  	s0 =	sadd.s32 @!p0 $0x100000, s0  }
0x113: {  	[sflag:s0] =	ssyncadd.tile.s32 @!p0 $0x1;
	_ =	shalt  }
.Lfunc_end2:
_tile_overlayer_lowered:
.L_overlay_start_2:
0x114: {  	(tag) =	ssettag $0x2  }
0x115: {  	s0 =	rddreg [dreg:$0x0];
	s2 =	stileid.u32  }
0x116: {  	s1 =	rddreg [dreg:$0x1];
	p0 =	sne.s32 s2, $0x0  }
0x117: {  	s3 =	rddreg [dreg:$0x2];
	[bflag:$0x3] =	sbarrier.arrive $0xFFFF;
	s2 =	simm.s32 @!p0 $0x1C02  }
0x118: {  	[timem:s3], [sflag:s2] =	dma.local @!p0 [hbm:s0], s1  }
0x119: {  	s0 =	simm.s32 @!p0 $0x2  }
0x11a: {  	_ =	swait.ge @!p0 [sflag:s0], s1  }
0x11b: {  	s1 =	ssub.s32 @!p0 $0x0, s1;
	[sflag:s0] =	ssyncset.done @!p0 $0x0  }
0x11c: {  	[sflag:s0] =	ssyncadd.s32 @!p0 s1  }
0x11d: {  	[bflag:$0x3] =	sbarrier.arrive $0xFFFF  }
0x11e: {  	_ =	shalt  }

</sc_bundles>
